<compile_context>
chip_gen: v7x
topology: tpu7x:2x2x1
jax: 0.10.2.dev20260603
libtpu: 0.0.44.dev20260713+nightly
codegen_flags: <defaults>
</compile_context>

<pallas_src>
import functools

import jax
import jax.numpy as jnp
from jax import lax
from jax.experimental import pallas as pl
from jax.experimental.pallas import tpu as pltpu
from jax.experimental.pallas import tpu_sc as plsc

NC = 2
NS = 16
L = 16
NW = NC * NS
G = 6
GE = 128 * 128 * 128
EPW = GE // NW
CH = 16384
NCH = EPW // CH
NB = 256
HSTR = G * NB + 1
TOPK_N = 209715
MAGIC = float(2 ** 23)
MAGIC_BITS = 0x4B000000
BSCALE = 15.96
MAGIC2 = float(2 ** 24)
MAGIC2_BITS = 0x4B800000
CBIT = 1 << 19
NEG_LOG2E = -1.4426950408889634

_mesh = plsc.VectorSubcoreMesh(core_axis_name="c", subcore_axis_name="s")


@functools.partial(
    pl.kernel,
    out_type=jax.ShapeDtypeStruct((NW, G * 2 * NB), jnp.float32),
    mesh=_mesh,
    compiler_params=pltpu.CompilerParams(needs_layout_passes=False),
    scratch_types=[
        pltpu.VMEM((2 * CH,), jnp.float32),
        pltpu.VMEM((2 * CH,), jnp.float32),
        pltpu.VMEM((L * HSTR,), jnp.int32),
        pltpu.VMEM((G * 2 * NB,), jnp.float32),
        pltpu.SemaphoreType.DMA,
        pltpu.SemaphoreType.DMA,
    ],
)
def _hist_kernel(x_hbm, t_hbm, out_hbm, xbuf, tbuf, hacc, obuf,
                 sem0, sem1):
    wid = lax.axis_index("s") * NC + lax.axis_index("c")
    zeros16 = jnp.zeros((L,), jnp.float32)
    izeros16 = jnp.zeros((L,), jnp.int32)
    lane_off = lax.iota(jnp.int32, L) * HSTR
    sems = (sem0, sem1)
    nchunks = G * NCH

    def _offset(c):
        g = c // NCH
        cc = lax.rem(c, NCH)
        return g * GE + wid * EPW + cc * CH, g

    def _start(c, slot):
        off, _ = _offset(c)
        pltpu.async_copy(
            x_hbm.at[pl.ds(off, CH)], xbuf.at[pl.ds(slot * CH, CH)],
            sems[slot])
        pltpu.async_copy(
            t_hbm.at[pl.ds(off, CH)], tbuf.at[pl.ds(slot * CH, CH)],
            sems[slot])

    def _wait(slot):
        pltpu.make_async_copy(
            x_hbm.at[pl.ds(0, CH)], xbuf.at[pl.ds(slot * CH, CH)],
            sems[slot]).wait()
        pltpu.make_async_copy(
            t_hbm.at[pl.ds(0, CH)], tbuf.at[pl.ds(slot * CH, CH)],
            sems[slot]).wait()

    @plsc.parallel_loop(0, L * HSTR // L, unroll=8)
    def _zero(i):
        hacc[pl.ds(i * L, L)] = izeros16

    _start(0, 0)
    _start(1, 1)

    @pl.loop(0, nchunks, step=2)
    def _chunk(c):
        for b in range(2):
            cur = c + b
            _wait(b)
            g = cur // NCH
            ibase = lane_off + (g * NB - MAGIC_BITS)
            bbase = b * CH

            @plsc.parallel_loop(0, CH // L, unroll=8)
            def _vec(i):
                xv = xbuf[pl.ds(bbase + i * L, L)]
                tv = tbuf[pl.ds(bbase + i * L, L)]
                s = 1.0 / (1.0 + jnp.exp(-xv))
                d16 = (s - tv) * BSCALE
                u = d16 * d16
                idx = lax.bitcast_convert_type(u + MAGIC, jnp.int32) + ibase
                val = lax.bitcast_convert_type(
                    u + MAGIC2, jnp.int32) + (CBIT - MAGIC2_BITS)
                plsc.addupdate_scatter(hacc, [idx], val)

            @pl.when(cur + 2 < nchunks)
            def _():
                _start(cur + 2, b)

    @plsc.parallel_loop(0, G * (NB // L))
    def _red(m):
        g = m // (NB // L)
        blk = lax.rem(m, NB // L)
        base = g * NB + blk * L
        acc_c = izeros16
        acc_s = izeros16
        for lane in range(L):
            off = lane * HSTR + base
            a = lax.bitcast_convert_type(hacc[pl.ds(off, L)], jnp.uint32)
            acc_c = acc_c + lax.bitcast_convert_type(
                lax.shift_right_logical(a, jnp.uint32(19)), jnp.int32)
            acc_s = acc_s + lax.bitcast_convert_type(
                a & jnp.uint32(CBIT - 1), jnp.int32)
        obuf[pl.ds((g * 2 + 0) * NB + blk * L, L)] = acc_c.astype(jnp.float32)
        obuf[pl.ds((g * 2 + 1) * NB + blk * L, L)] = acc_s.astype(jnp.float32)

    pltpu.sync_copy(obuf, out_hbm.at[wid])


def kernel(net_output, target):
    x = net_output.reshape(-1)
    t = target.reshape(-1)
    parts = _hist_kernel(x, t)
    o = parts.reshape(NW, G, 2, NB).sum(axis=0)
    counts = o[:, 0, :]
    sums = o[:, 1, :]
    above_c = jnp.cumsum(counts[:, ::-1], axis=1)[:, ::-1]
    above_s = jnp.cumsum(sums[:, ::-1], axis=1)[:, ::-1]
    n = float(TOPK_N)
    bstar = jnp.sum((above_c >= n).astype(jnp.int32), axis=1) - 1
    tau = bstar.astype(jnp.float32) - 0.5
    c_b = jnp.take_along_axis(above_c, bstar[:, None], axis=1)[:, 0]
    s_b = jnp.take_along_axis(above_s, bstar[:, None], axis=1)[:, 0]
    est = (s_b * 2.0 + (n - c_b) * tau) / (n * BSCALE * BSCALE)
    return jnp.mean(est)

# --- scband reference (transcript-rebuilt; emitter-appended) ---
"""Pipeline reference for scband-nonlin-mse-top-k-loss-8718783611357 (READ-ONLY COPY).

The authoritative reference and input builder live on the scoring server;
editing this copy changes nothing except your own understanding.
"""

import jax, jax.numpy as jnp
import numpy as np

K_PERCENT = 10

def setup_inputs(seed: int = 0) -> dict:
    key = jax.random.key(seed)
    k1, k2 = jax.random.split(key)
    net_output = jax.random.normal(k1, (2, 3, 128, 128, 128), dtype=jnp.float32)
    target = jax.random.uniform(k2, (2, 3, 128, 128, 128), dtype=jnp.float32)
    return {"net_output": net_output, "target": target}

def reference(net_output, target):
    # nonlinearity = sigmoid
    out = jax.nn.sigmoid(net_output)
    # MSELoss(reduction='none')
    loss = (out - target) ** 2
    # n = max(1, round(prod(shape[-3:]) * k / 100))
    n = max(1, int(round(float(np.prod(loss.shape[-3:])) * K_PERCENT / 100.0)))
    # flatten everything after the first two dims
    loss = loss.reshape((loss.shape[0], loss.shape[1], -1))
    vals, _ = jax.lax.top_k(loss, n)
    loss = vals.mean(axis=-1).mean()
    return loss

if __name__ == "__main__":
    import jax
    _d = setup_inputs()
    print(jax.jit(kernel)(*tuple(_d.values())))

</pallas_src>

<mosaic_0001>
#map = affine_map<(d0, d1) -> (0)>
#map1 = affine_map<(d0, d1) -> (0, 0)>
module attributes {stable_mosaic.version = 14 : i64} {
  func.func @_hist_kernel(%arg0: i32, %arg1: i32, %arg2: memref<12582912xf32, #tpu.memory_space<hbm>>, %arg3: memref<12582912xf32, #tpu.memory_space<hbm>>, %arg4: memref<32x3072xf32, #tpu.memory_space<hbm>>, %arg5: memref<32768xf32, #tpu.memory_space<vmem>>, %arg6: memref<32768xf32, #tpu.memory_space<vmem>>, %arg7: memref<24592xi32, #tpu.memory_space<vmem>>, %arg8: memref<3072xf32, #tpu.memory_space<vmem>>, %arg9: memref<!tpu.dma_semaphore, #tpu.memory_space<semaphore_mem>>, %arg10: memref<!tpu.dma_semaphore, #tpu.memory_space<semaphore_mem>>) attributes {dimension_semantics = [#tpu.dimension_semantics<core_parallel>, #tpu.dimension_semantics<subcore_parallel>], iteration_bounds = array<i64: 2, 16>, scalar_prefetch = 0 : i64, scratch_operands = 6 : i64, tpu.core_type = #tpu.core_type<sc_vector_subcore>, window_params = [{transform_indices = #map}, {transform_indices = #map}, {transform_indices = #map1}]} {
    %mul3A = arith.constant 2 : i32
    %mul3A_0 = arith.muli %arg1, %mul3A : i32
    %add3A = arith.addi %mul3A_0, %arg0 : i32
    %broadcast_in_dim3A = arith.constant 0.000000e+00 : f32
    %broadcast_in_dim3A_1 = vector.broadcast %broadcast_in_dim3A : f32 to vector<16xf32>
    %broadcast_in_dim3A_2 = arith.constant 0 : i32
    %broadcast_in_dim3A_3 = vector.broadcast %broadcast_in_dim3A_2 : i32 to vector<16xi32>
    %iota3A = tpu.iota {dimensions = array<i32: 0>} : vector<16xi32>
    %mul3A_4 = arith.constant 1537 : i32
    %mul3A_5 = vector.broadcast %mul3A_4 : i32 to vector<16xi32>
    %mul3A_6 = arith.muli %iota3A, %mul3A_5 : vector<16xi32>
    %parallel_loop3A = arith.constant 0 : i32
    %parallel_loop3A_7 = arith.constant 1537 : i32
    %parallel_loop3A_8 = arith.constant 1 : i32
    scf.for %parallel_loop3A_58 = %parallel_loop3A to %parallel_loop3A_7 step %parallel_loop3A_8  : i32 {
      %parallel_loop3A_59 = arith.constant 16 : i32
      %parallel_loop3A_60 = arith.muli %parallel_loop3A_58, %parallel_loop3A_59 : i32
      %parallel_loop3A_61 = arith.index_cast %parallel_loop3A_60 : i32 to index
      %parallel_loop3A_62 = tpu.vector_load %arg7[%parallel_loop3A_61] {strides = array<i32>} : memref<24592xi32, #tpu.memory_space<vmem>>, vector<16xi32>,
      tpu.vector_store %arg7[%parallel_loop3A_61], %broadcast_in_dim3A_3 {strides = array<i32>} : memref<24592xi32, #tpu.memory_space<vmem>>, vector<16xi32>,
    } {sc.loop_unroll_factor = 8 : i64, sc.parallel_access}
    %rem3A = arith.constant 0 : i32
    %rem3A_9 = arith.constant 4 : i32
    %rem3A_10 = arith.remsi %rem3A, %rem3A_9 : i32
    %mul3A_11 = arith.constant 65536 : i32
    %mul3A_12 = arith.muli %add3A, %mul3A_11 : i32
    %add3A_13 = arith.constant 0 : i32
    %add3A_14 = arith.addi %add3A_13, %mul3A_12 : i32
    %mul3A_15 = arith.constant 16384 : i32
    %mul3A_16 = arith.muli %rem3A_10, %mul3A_15 : i32
    %add3A_17 = arith.addi %add3A_14, %mul3A_16 : i32
    %dma_start3A = arith.constant 0 : i32
    %dma_start3A_18 = tpu.memref_slice %arg5[%dma_start3A] : memref<32768xf32, #tpu.memory_space<vmem>> -> memref<16384xf32, #tpu.memory_space<vmem>>
    %dma_start3A_19 = tpu.memref_slice %arg2[%add3A_17] : memref<12582912xf32, #tpu.memory_space<hbm>> -> memref<16384xf32, #tpu.memory_space<hbm>>
    %dma_start3A_20 = arith.constant 0 : i32
    %dma_start3A_21 = tpu.memref_slice %arg5[%dma_start3A_20] : memref<32768xf32, #tpu.memory_space<vmem>> -> memref<16384xf32, #tpu.memory_space<vmem>>
    %dma_start3A_22 = tpu.memref_slice %arg2[%add3A_17] : memref<12582912xf32, #tpu.memory_space<hbm>> -> memref<16384xf32, #tpu.memory_space<hbm>>
    tpu.enqueue_dma source(%dma_start3A_22 : memref<16384xf32, #tpu.memory_space<hbm>>) target(%dma_start3A_21 : memref<16384xf32, #tpu.memory_space<vmem>>) target_semaphore(%arg9 : memref<!tpu.dma_semaphore, #tpu.memory_space<semaphore_mem>>)
    %dma_start3A_23 = arith.constant 0 : i32
    %dma_start3A_24 = tpu.memref_slice %arg6[%dma_start3A_23] : memref<32768xf32, #tpu.memory_space<vmem>> -> memref<16384xf32, #tpu.memory_space<vmem>>
    %dma_start3A_25 = tpu.memref_slice %arg3[%add3A_17] : memref<12582912xf32, #tpu.memory_space<hbm>> -> memref<16384xf32, #tpu.memory_space<hbm>>
    %dma_start3A_26 = arith.constant 0 : i32
    %dma_start3A_27 = tpu.memref_slice %arg6[%dma_start3A_26] : memref<32768xf32, #tpu.memory_space<vmem>> -> memref<16384xf32, #tpu.memory_space<vmem>>
    %dma_start3A_28 = tpu.memref_slice %arg3[%add3A_17] : memref<12582912xf32, #tpu.memory_space<hbm>> -> memref<16384xf32, #tpu.memory_space<hbm>>
    tpu.enqueue_dma source(%dma_start3A_28 : memref<16384xf32, #tpu.memory_space<hbm>>) target(%dma_start3A_27 : memref<16384xf32, #tpu.memory_space<vmem>>) target_semaphore(%arg9 : memref<!tpu.dma_semaphore, #tpu.memory_space<semaphore_mem>>)
    %rem3A_29 = arith.constant 1 : i32
    %rem3A_30 = arith.constant 4 : i32
    %rem3A_31 = arith.remsi %rem3A_29, %rem3A_30 : i32
    %mul3A_32 = arith.constant 65536 : i32
    %mul3A_33 = arith.muli %add3A, %mul3A_32 : i32
    %add3A_34 = arith.constant 0 : i32
    %add3A_35 = arith.addi %add3A_34, %mul3A_33 : i32
    %mul3A_36 = arith.constant 16384 : i32
    %mul3A_37 = arith.muli %rem3A_31, %mul3A_36 : i32
    %add3A_38 = arith.addi %add3A_35, %mul3A_37 : i32
    %dma_start3A_39 = arith.constant 16384 : i32
    %dma_start3A_40 = tpu.memref_slice %arg5[%dma_start3A_39] : memref<32768xf32, #tpu.memory_space<vmem>> -> memref<16384xf32, #tpu.memory_space<vmem>>
    %dma_start3A_41 = tpu.memref_slice %arg2[%add3A_38] : memref<12582912xf32, #tpu.memory_space<hbm>> -> memref<16384xf32, #tpu.memory_space<hbm>>
    %dma_start3A_42 = arith.constant 16384 : i32
    %dma_start3A_43 = tpu.memref_slice %arg5[%dma_start3A_42] : memref<32768xf32, #tpu.memory_space<vmem>> -> memref<16384xf32, #tpu.memory_space<vmem>>
    %dma_start3A_44 = tpu.memref_slice %arg2[%add3A_38] : memref<12582912xf32, #tpu.memory_space<hbm>> -> memref<16384xf32, #tpu.memory_space<hbm>>
    tpu.enqueue_dma source(%dma_start3A_44 : memref<16384xf32, #tpu.memory_space<hbm>>) target(%dma_start3A_43 : memref<16384xf32, #tpu.memory_space<vmem>>) target_semaphore(%arg10 : memref<!tpu.dma_semaphore, #tpu.memory_space<semaphore_mem>>)
    %dma_start3A_45 = arith.constant 16384 : i32
    %dma_start3A_46 = tpu.memref_slice %arg6[%dma_start3A_45] : memref<32768xf32, #tpu.memory_space<vmem>> -> memref<16384xf32, #tpu.memory_space<vmem>>
    %dma_start3A_47 = tpu.memref_slice %arg3[%add3A_38] : memref<12582912xf32, #tpu.memory_space<hbm>> -> memref<16384xf32, #tpu.memory_space<hbm>>
    %dma_start3A_48 = arith.constant 16384 : i32
    %dma_start3A_49 = tpu.memref_slice %arg6[%dma_start3A_48] : memref<32768xf32, #tpu.memory_space<vmem>> -> memref<16384xf32, #tpu.memory_space<vmem>>
    %dma_start3A_50 = tpu.memref_slice %arg3[%add3A_38] : memref<12582912xf32, #tpu.memory_space<hbm>> -> memref<16384xf32, #tpu.memory_space<hbm>>
    tpu.enqueue_dma source(%dma_start3A_50 : memref<16384xf32, #tpu.memory_space<hbm>>) target(%dma_start3A_49 : memref<16384xf32, #tpu.memory_space<vmem>>) target_semaphore(%arg10 : memref<!tpu.dma_semaphore, #tpu.memory_space<semaphore_mem>>)
    %scan3A = arith.constant 0 : i32
    %scan3A_51 = arith.constant 12 : i32
    %scan3A_52 = arith.addi %scan3A, %scan3A_51 : i32
    %scan3A_53 = arith.constant 1 : i32
    scf.for %scan3A_58 = %scan3A to %scan3A_52 step %scan3A_53  : i32 {
      %mul3A_59 = arith.constant 2 : i32
      %mul3A_60 = arith.muli %scan3A_58, %mul3A_59 : i32
      %add3A_61 = arith.constant 0 : i32
      %add3A_62 = arith.addi %add3A_61, %mul3A_60 : i32
      %add3A_63 = arith.constant 0 : i32
      %add3A_64 = arith.addi %add3A_62, %add3A_63 : i32
      %dma_wait3A = arith.constant 0 : i32
      %dma_wait3A_65 = tpu.memref_slice %arg5[%dma_wait3A] : memref<32768xf32, #tpu.memory_space<vmem>> -> memref<16384xf32, #tpu.memory_space<vmem>>
      %dma_wait3A_66 = arith.constant 0 : i32
      %dma_wait3A_67 = tpu.memref_slice %arg2[%dma_wait3A_66] : memref<12582912xf32, #tpu.memory_space<hbm>> -> memref<16384xf32, #tpu.memory_space<hbm>>
      %dma_wait3A_68 = arith.constant 0 : i32
      %dma_wait3A_69 = tpu.memref_slice %arg5[%dma_wait3A_68] : memref<32768xf32, #tpu.memory_space<vmem>> -> memref<16384xf32, #tpu.memory_space<vmem>>
      %dma_wait3A_70 = arith.constant 0 : i32
      %dma_wait3A_71 = tpu.memref_slice %arg2[%dma_wait3A_70] : memref<12582912xf32, #tpu.memory_space<hbm>> -> memref<16384xf32, #tpu.memory_space<hbm>>
      tpu.wait_dma2 semaphore(%arg9 : memref<!tpu.dma_semaphore, #tpu.memory_space<semaphore_mem>>) src(%dma_wait3A_71 : memref<16384xf32, #tpu.memory_space<hbm>>) dst(%dma_wait3A_69 : memref<16384xf32, #tpu.memory_space<vmem>>)
      %dma_wait3A_72 = arith.constant 0 : i32
      %dma_wait3A_73 = tpu.memref_slice %arg6[%dma_wait3A_72] : memref<32768xf32, #tpu.memory_space<vmem>> -> memref<16384xf32, #tpu.memory_space<vmem>>
      %dma_wait3A_74 = arith.constant 0 : i32
      %dma_wait3A_75 = tpu.memref_slice %arg3[%dma_wait3A_74] : memref<12582912xf32, #tpu.memory_space<hbm>> -> memref<16384xf32, #tpu.memory_space<hbm>>
      %dma_wait3A_76 = arith.constant 0 : i32
      %dma_wait3A_77 = tpu.memref_slice %arg6[%dma_wait3A_76] : memref<32768xf32, #tpu.memory_space<vmem>> -> memref<16384xf32, #tpu.memory_space<vmem>>
      %dma_wait3A_78 = arith.constant 0 : i32
      %dma_wait3A_79 = tpu.memref_slice %arg3[%dma_wait3A_78] : memref<12582912xf32, #tpu.memory_space<hbm>> -> memref<16384xf32, #tpu.memory_space<hbm>>
      tpu.wait_dma2 semaphore(%arg9 : memref<!tpu.dma_semaphore, #tpu.memory_space<semaphore_mem>>) src(%dma_wait3A_79 : memref<16384xf32, #tpu.memory_space<hbm>>) dst(%dma_wait3A_77 : memref<16384xf32, #tpu.memory_space<vmem>>)
      %jit3A = arith.constant 4 : i32
      %div3A = arith.divsi %add3A_64, %jit3A : i32
      %sign3A = arith.constant 0 : i32
      %sign3A_80 = arith.cmpi sgt, %add3A_64, %sign3A : i32
      %sign3A_81 = arith.extui %sign3A_80 : i1 to i32
      %sign3A_82 = arith.constant 0 : i32
      %sign3A_83 = arith.cmpi slt, %add3A_64, %sign3A_82 : i32
      %sign3A_84 = arith.extui %sign3A_83 : i1 to i32
      %sign3A_85 = arith.subi %sign3A_81, %sign3A_84 : i32
      %sign3A_86 = arith.constant 0 : i32
      %sign3A_87 = arith.cmpi sgt, %jit3A, %sign3A_86 : i32
      %sign3A_88 = arith.extui %sign3A_87 : i1 to i32
      %sign3A_89 = arith.constant 0 : i32
      %sign3A_90 = arith.cmpi slt, %jit3A, %sign3A_89 : i32
      %sign3A_91 = arith.extui %sign3A_90 : i1 to i32
      %sign3A_92 = arith.subi %sign3A_88, %sign3A_91 : i32
      %ne3A = arith.cmpi ne, %sign3A_85, %sign3A_92 : i32
      %rem3A_93 = arith.remsi %add3A_64, %jit3A : i32
      %ne3A_94 = arith.constant 0 : i32
      %ne3A_95 = arith.cmpi ne, %rem3A_93, %ne3A_94 : i32
      %and3A = arith.andi %ne3A, %ne3A_95 : i1
      %sub3A = arith.constant 1 : i32
      %sub3A_96 = arith.subi %div3A, %sub3A : i32
      %select_n3A = arith.select %and3A, %sub3A_96, %div3A : i32
      %mul3A_97 = arith.constant 256 : i32
      %mul3A_98 = arith.muli %select_n3A, %mul3A_97 : i32
      %sub3A_99 = arith.constant 1258291200 : i32
      %sub3A_100 = arith.subi %mul3A_98, %sub3A_99 : i32
      %add3A_101 = vector.broadcast %sub3A_100 : i32 to vector<16xi32>
      %add3A_102 = arith.addi %mul3A_6, %add3A_101 : vector<16xi32>
      %parallel_loop3A_103 = arith.constant 0 : i32
      %parallel_loop3A_104 = arith.constant 1024 : i32
      %parallel_loop3A_105 = arith.constant 1 : i32
      scf.for %parallel_loop3A_168 = %parallel_loop3A_103 to %parallel_loop3A_104 step %parallel_loop3A_105  : i32 {
        %parallel_loop3A_169 = arith.constant 16 : i32
        %parallel_loop3A_170 = arith.muli %parallel_loop3A_168, %parallel_loop3A_169 : i32
        %parallel_loop3A_171 = arith.constant 0 : i32
        %parallel_loop3A_172 = arith.addi %parallel_loop3A_171, %parallel_loop3A_170 : i32
        %parallel_loop3A_173 = arith.index_cast %parallel_loop3A_172 : i32 to index
        %parallel_loop3A_174 = tpu.vector_load %arg5[%parallel_loop3A_173] {strides = array<i32>} : memref<32768xf32, #tpu.memory_space<vmem>>, vector<16xf32>,
        %parallel_loop3A_175 = arith.constant 16 : i32
        %parallel_loop3A_176 = arith.muli %parallel_loop3A_168, %parallel_loop3A_175 : i32
        %parallel_loop3A_177 = arith.constant 0 : i32
        %parallel_loop3A_178 = arith.addi %parallel_loop3A_177, %parallel_loop3A_176 : i32
        %parallel_loop3A_179 = arith.index_cast %parallel_loop3A_178 : i32 to index
        %parallel_loop3A_180 = tpu.vector_load %arg6[%parallel_loop3A_179] {strides = array<i32>} : memref<32768xf32, #tpu.memory_space<vmem>>, vector<16xf32>,
        %parallel_loop3A_181 = arith.constant 0.000000e+00 : f32
        %parallel_loop3A_182 = vector.broadcast %parallel_loop3A_181 : f32 to vector<16xf32>
        %parallel_loop3A_183 = arith.subf %parallel_loop3A_182, %parallel_loop3A_174 : vector<16xf32>
        %parallel_loop3A_184 = math.exp %parallel_loop3A_183 : vector<16xf32>
        %parallel_loop3A_185 = arith.constant 1.000000e+00 : f32
        %parallel_loop3A_186 = vector.broadcast %parallel_loop3A_185 : f32 to vector<16xf32>
        %parallel_loop3A_187 = arith.addf %parallel_loop3A_186, %parallel_loop3A_184 : vector<16xf32>
        %parallel_loop3A_188 = arith.constant 1.000000e+00 : f32
        %parallel_loop3A_189 = vector.broadcast %parallel_loop3A_188 : f32 to vector<16xf32>
        %parallel_loop3A_190 = arith.divf %parallel_loop3A_189, %parallel_loop3A_187 : vector<16xf32>
        %parallel_loop3A_191 = arith.subf %parallel_loop3A_190, %parallel_loop3A_180 : vector<16xf32>
        %parallel_loop3A_192 = arith.constant 1.596000e+01 : f32
        %parallel_loop3A_193 = vector.broadcast %parallel_loop3A_192 : f32 to vector<16xf32>
        %parallel_loop3A_194 = arith.mulf %parallel_loop3A_191, %parallel_loop3A_193 : vector<16xf32>
        %parallel_loop3A_195 = arith.mulf %parallel_loop3A_194, %parallel_loop3A_194 : vector<16xf32>
        %parallel_loop3A_196 = arith.constant 0x4B000000 : f32
        %parallel_loop3A_197 = vector.broadcast %parallel_loop3A_196 : f32 to vector<16xf32>
        %parallel_loop3A_198 = arith.addf %parallel_loop3A_195, %parallel_loop3A_197 : vector<16xf32>
        %parallel_loop3A_199 = tpu.bitcast %parallel_loop3A_198 : vector<16xf32> -> vector<16xi32>
        %parallel_loop3A_200 = arith.addi %parallel_loop3A_199, %add3A_102 : vector<16xi32>
        %parallel_loop3A_201 = arith.constant 0x4B800000 : f32
        %parallel_loop3A_202 = vector.broadcast %parallel_loop3A_201 : f32 to vector<16xf32>
        %parallel_loop3A_203 = arith.addf %parallel_loop3A_195, %parallel_loop3A_202 : vector<16xf32>
        %parallel_loop3A_204 = tpu.bitcast %parallel_loop3A_203 : vector<16xf32> -> vector<16xi32>
        %parallel_loop3A_205 = arith.constant -1266155520 : i32
        %parallel_loop3A_206 = vector.broadcast %parallel_loop3A_205 : i32 to vector<16xi32>
        %parallel_loop3A_207 = arith.addi %parallel_loop3A_204, %parallel_loop3A_206 : vector<16xi32>
        tpu.vector_store_idx %arg7[%parallel_loop3A_200], %parallel_loop3A_207 {add = true} : memref<24592xi32, #tpu.memory_space<vmem>>[vector<16xi32>], vector<16xi32>,
      } {sc.loop_unroll_factor = 8 : i64, sc.parallel_access}
      %add3A_106 = arith.constant 2 : i32
      %add3A_107 = arith.addi %add3A_64, %add3A_106 : i32
      %lt3A = arith.constant 24 : i32
      %lt3A_108 = arith.cmpi slt, %add3A_107, %lt3A : i32
      %convert_element_type3A = arith.extui %lt3A_108 : i1 to i32
      %cond3A = arith.constant 0 : i32
      %cond3A_109 = arith.cmpi ne, %convert_element_type3A, %cond3A : i32
      scf.if %cond3A_109 {
        %add3A_168 = arith.constant 2 : i32
        %add3A_169 = arith.addi %add3A_64, %add3A_168 : i32
        %jit3A_170 = arith.constant 4 : i32
        %div3A_171 = arith.divsi %add3A_169, %jit3A_170 : i32
        %sign3A_172 = arith.constant 0 : i32
        %sign3A_173 = arith.cmpi sgt, %add3A_169, %sign3A_172 : i32
        %sign3A_174 = arith.extui %sign3A_173 : i1 to i32
        %sign3A_175 = arith.constant 0 : i32
        %sign3A_176 = arith.cmpi slt, %add3A_169, %sign3A_175 : i32
        %sign3A_177 = arith.extui %sign3A_176 : i1 to i32
        %sign3A_178 = arith.subi %sign3A_174, %sign3A_177 : i32
        %sign3A_179 = arith.constant 0 : i32
        %sign3A_180 = arith.cmpi sgt, %jit3A_170, %sign3A_179 : i32
        %sign3A_181 = arith.extui %sign3A_180 : i1 to i32
        %sign3A_182 = arith.constant 0 : i32
        %sign3A_183 = arith.cmpi slt, %jit3A_170, %sign3A_182 : i32
        %sign3A_184 = arith.extui %sign3A_183 : i1 to i32
        %sign3A_185 = arith.subi %sign3A_181, %sign3A_184 : i32
        %ne3A_186 = arith.cmpi ne, %sign3A_178, %sign3A_185 : i32
        %rem3A_187 = arith.remsi %add3A_169, %jit3A_170 : i32
        %ne3A_188 = arith.constant 0 : i32
        %ne3A_189 = arith.cmpi ne, %rem3A_187, %ne3A_188 : i32
        %and3A_190 = arith.andi %ne3A_186, %ne3A_189 : i1
        %sub3A_191 = arith.constant 1 : i32
        %sub3A_192 = arith.subi %div3A_171, %sub3A_191 : i32
        %select_n3A_193 = arith.select %and3A_190, %sub3A_192, %div3A_171 : i32
        %rem3A_194 = arith.constant 4 : i32
        %rem3A_195 = arith.remsi %add3A_169, %rem3A_194 : i32
        %mul3A_196 = arith.constant 2097152 : i32
        %mul3A_197 = arith.muli %select_n3A_193, %mul3A_196 : i32
        %mul3A_198 = arith.constant 65536 : i32
        %mul3A_199 = arith.muli %add3A, %mul3A_198 : i32
        %add3A_200 = arith.addi %mul3A_197, %mul3A_199 : i32
        %mul3A_201 = arith.constant 16384 : i32
        %mul3A_202 = arith.muli %rem3A_195, %mul3A_201 : i32
        %add3A_203 = arith.addi %add3A_200, %mul3A_202 : i32
        %dma_start3A_204 = arith.constant 0 : i32
        %dma_start3A_205 = tpu.memref_slice %arg5[%dma_start3A_204] : memref<32768xf32, #tpu.memory_space<vmem>> -> memref<16384xf32, #tpu.memory_space<vmem>>
        %dma_start3A_206 = tpu.memref_slice %arg2[%add3A_203] : memref<12582912xf32, #tpu.memory_space<hbm>> -> memref<16384xf32, #tpu.memory_space<hbm>>
        %dma_start3A_207 = arith.constant 0 : i32
        %dma_start3A_208 = tpu.memref_slice %arg5[%dma_start3A_207] : memref<32768xf32, #tpu.memory_space<vmem>> -> memref<16384xf32, #tpu.memory_space<vmem>>
        %dma_start3A_209 = tpu.memref_slice %arg2[%add3A_203] : memref<12582912xf32, #tpu.memory_space<hbm>> -> memref<16384xf32, #tpu.memory_space<hbm>>
        tpu.enqueue_dma source(%dma_start3A_209 : memref<16384xf32, #tpu.memory_space<hbm>>) target(%dma_start3A_208 : memref<16384xf32, #tpu.memory_space<vmem>>) target_semaphore(%arg9 : memref<!tpu.dma_semaphore, #tpu.memory_space<semaphore_mem>>)
        %dma_start3A_210 = arith.constant 0 : i32
        %dma_start3A_211 = tpu.memref_slice %arg6[%dma_start3A_210] : memref<32768xf32, #tpu.memory_space<vmem>> -> memref<16384xf32, #tpu.memory_space<vmem>>
        %dma_start3A_212 = tpu.memref_slice %arg3[%add3A_203] : memref<12582912xf32, #tpu.memory_space<hbm>> -> memref<16384xf32, #tpu.memory_space<hbm>>
        %dma_start3A_213 = arith.constant 0 : i32
        %dma_start3A_214 = tpu.memref_slice %arg6[%dma_start3A_213] : memref<32768xf32, #tpu.memory_space<vmem>> -> memref<16384xf32, #tpu.memory_space<vmem>>
        %dma_start3A_215 = tpu.memref_slice %arg3[%add3A_203] : memref<12582912xf32, #tpu.memory_space<hbm>> -> memref<16384xf32, #tpu.memory_space<hbm>>
        tpu.enqueue_dma source(%dma_start3A_215 : memref<16384xf32, #tpu.memory_space<hbm>>) target(%dma_start3A_214 : memref<16384xf32, #tpu.memory_space<vmem>>) target_semaphore(%arg9 : memref<!tpu.dma_semaphore, #tpu.memory_space<semaphore_mem>>)
      } else {
      }
      %add3A_110 = arith.constant 1 : i32
      %add3A_111 = arith.addi %add3A_62, %add3A_110 : i32
      %dma_wait3A_112 = arith.constant 16384 : i32
      %dma_wait3A_113 = tpu.memref_slice %arg5[%dma_wait3A_112] : memref<32768xf32, #tpu.memory_space<vmem>> -> memref<16384xf32, #tpu.memory_space<vmem>>
      %dma_wait3A_114 = arith.constant 0 : i32
      %dma_wait3A_115 = tpu.memref_slice %arg2[%dma_wait3A_114] : memref<12582912xf32, #tpu.memory_space<hbm>> -> memref<16384xf32, #tpu.memory_space<hbm>>
      %dma_wait3A_116 = arith.constant 16384 : i32
      %dma_wait3A_117 = tpu.memref_slice %arg5[%dma_wait3A_116] : memref<32768xf32, #tpu.memory_space<vmem>> -> memref<16384xf32, #tpu.memory_space<vmem>>
      %dma_wait3A_118 = arith.constant 0 : i32
      %dma_wait3A_119 = tpu.memref_slice %arg2[%dma_wait3A_118] : memref<12582912xf32, #tpu.memory_space<hbm>> -> memref<16384xf32, #tpu.memory_space<hbm>>
      tpu.wait_dma2 semaphore(%arg10 : memref<!tpu.dma_semaphore, #tpu.memory_space<semaphore_mem>>) src(%dma_wait3A_119 : memref<16384xf32, #tpu.memory_space<hbm>>) dst(%dma_wait3A_117 : memref<16384xf32, #tpu.memory_space<vmem>>)
      %dma_wait3A_120 = arith.constant 16384 : i32
      %dma_wait3A_121 = tpu.memref_slice %arg6[%dma_wait3A_120] : memref<32768xf32, #tpu.memory_space<vmem>> -> memref<16384xf32, #tpu.memory_space<vmem>>
      %dma_wait3A_122 = arith.constant 0 : i32
      %dma_wait3A_123 = tpu.memref_slice %arg3[%dma_wait3A_122] : memref<12582912xf32, #tpu.memory_space<hbm>> -> memref<16384xf32, #tpu.memory_space<hbm>>
      %dma_wait3A_124 = arith.constant 16384 : i32
      %dma_wait3A_125 = tpu.memref_slice %arg6[%dma_wait3A_124] : memref<32768xf32, #tpu.memory_space<vmem>> -> memref<16384xf32, #tpu.memory_space<vmem>>
      %dma_wait3A_126 = arith.constant 0 : i32
      %dma_wait3A_127 = tpu.memref_slice %arg3[%dma_wait3A_126] : memref<12582912xf32, #tpu.memory_space<hbm>> -> memref<16384xf32, #tpu.memory_space<hbm>>
      tpu.wait_dma2 semaphore(%arg10 : memref<!tpu.dma_semaphore, #tpu.memory_space<semaphore_mem>>) src(%dma_wait3A_127 : memref<16384xf32, #tpu.memory_space<hbm>>) dst(%dma_wait3A_125 : memref<16384xf32, #tpu.memory_space<vmem>>)
      %jit3A_128 = arith.constant 4 : i32
      %div3A_129 = arith.divsi %add3A_111, %jit3A_128 : i32
      %sign3A_130 = arith.constant 0 : i32
      %sign3A_131 = arith.cmpi sgt, %add3A_111, %sign3A_130 : i32
      %sign3A_132 = arith.extui %sign3A_131 : i1 to i32
      %sign3A_133 = arith.constant 0 : i32
      %sign3A_134 = arith.cmpi slt, %add3A_111, %sign3A_133 : i32
      %sign3A_135 = arith.extui %sign3A_134 : i1 to i32
      %sign3A_136 = arith.subi %sign3A_132, %sign3A_135 : i32
      %sign3A_137 = arith.constant 0 : i32
      %sign3A_138 = arith.cmpi sgt, %jit3A_128, %sign3A_137 : i32
      %sign3A_139 = arith.extui %sign3A_138 : i1 to i32
      %sign3A_140 = arith.constant 0 : i32
      %sign3A_141 = arith.cmpi slt, %jit3A_128, %sign3A_140 : i32
      %sign3A_142 = arith.extui %sign3A_141 : i1 to i32
      %sign3A_143 = arith.subi %sign3A_139, %sign3A_142 : i32
      %ne3A_144 = arith.cmpi ne, %sign3A_136, %sign3A_143 : i32
      %rem3A_145 = arith.remsi %add3A_111, %jit3A_128 : i32
      %ne3A_146 = arith.constant 0 : i32
      %ne3A_147 = arith.cmpi ne, %rem3A_145, %ne3A_146 : i32
      %and3A_148 = arith.andi %ne3A_144, %ne3A_147 : i1
      %sub3A_149 = arith.constant 1 : i32
      %sub3A_150 = arith.subi %div3A_129, %sub3A_149 : i32
      %select_n3A_151 = arith.select %and3A_148, %sub3A_150, %div3A_129 : i32
      %mul3A_152 = arith.constant 256 : i32
      %mul3A_153 = arith.muli %select_n3A_151, %mul3A_152 : i32
      %sub3A_154 = arith.constant 1258291200 : i32
      %sub3A_155 = arith.subi %mul3A_153, %sub3A_154 : i32
      %add3A_156 = vector.broadcast %sub3A_155 : i32 to vector<16xi32>
      %add3A_157 = arith.addi %mul3A_6, %add3A_156 : vector<16xi32>
      %parallel_loop3A_158 = arith.constant 0 : i32
      %parallel_loop3A_159 = arith.constant 1024 : i32
      %parallel_loop3A_160 = arith.constant 1 : i32
      scf.for %parallel_loop3A_168 = %parallel_loop3A_158 to %parallel_loop3A_159 step %parallel_loop3A_160  : i32 {
        %parallel_loop3A_169 = arith.constant 16 : i32
        %parallel_loop3A_170 = arith.muli %parallel_loop3A_168, %parallel_loop3A_169 : i32
        %parallel_loop3A_171 = arith.constant 16384 : i32
        %parallel_loop3A_172 = arith.addi %parallel_loop3A_171, %parallel_loop3A_170 : i32
        %parallel_loop3A_173 = arith.index_cast %parallel_loop3A_172 : i32 to index
        %parallel_loop3A_174 = tpu.vector_load %arg5[%parallel_loop3A_173] {strides = array<i32>} : memref<32768xf32, #tpu.memory_space<vmem>>, vector<16xf32>,
        %parallel_loop3A_175 = arith.constant 16 : i32
        %parallel_loop3A_176 = arith.muli %parallel_loop3A_168, %parallel_loop3A_175 : i32
        %parallel_loop3A_177 = arith.constant 16384 : i32
        %parallel_loop3A_178 = arith.addi %parallel_loop3A_177, %parallel_loop3A_176 : i32
        %parallel_loop3A_179 = arith.index_cast %parallel_loop3A_178 : i32 to index
        %parallel_loop3A_180 = tpu.vector_load %arg6[%parallel_loop3A_179] {strides = array<i32>} : memref<32768xf32, #tpu.memory_space<vmem>>, vector<16xf32>,
        %parallel_loop3A_181 = arith.constant 0.000000e+00 : f32
        %parallel_loop3A_182 = vector.broadcast %parallel_loop3A_181 : f32 to vector<16xf32>
        %parallel_loop3A_183 = arith.subf %parallel_loop3A_182, %parallel_loop3A_174 : vector<16xf32>
        %parallel_loop3A_184 = math.exp %parallel_loop3A_183 : vector<16xf32>
        %parallel_loop3A_185 = arith.constant 1.000000e+00 : f32
        %parallel_loop3A_186 = vector.broadcast %parallel_loop3A_185 : f32 to vector<16xf32>
        %parallel_loop3A_187 = arith.addf %parallel_loop3A_186, %parallel_loop3A_184 : vector<16xf32>
        %parallel_loop3A_188 = arith.constant 1.000000e+00 : f32
        %parallel_loop3A_189 = vector.broadcast %parallel_loop3A_188 : f32 to vector<16xf32>
        %parallel_loop3A_190 = arith.divf %parallel_loop3A_189, %parallel_loop3A_187 : vector<16xf32>
        %parallel_loop3A_191 = arith.subf %parallel_loop3A_190, %parallel_loop3A_180 : vector<16xf32>
        %parallel_loop3A_192 = arith.constant 1.596000e+01 : f32
        %parallel_loop3A_193 = vector.broadcast %parallel_loop3A_192 : f32 to vector<16xf32>
        %parallel_loop3A_194 = arith.mulf %parallel_loop3A_191, %parallel_loop3A_193 : vector<16xf32>
        %parallel_loop3A_195 = arith.mulf %parallel_loop3A_194, %parallel_loop3A_194 : vector<16xf32>
        %parallel_loop3A_196 = arith.constant 0x4B000000 : f32
        %parallel_loop3A_197 = vector.broadcast %parallel_loop3A_196 : f32 to vector<16xf32>
        %parallel_loop3A_198 = arith.addf %parallel_loop3A_195, %parallel_loop3A_197 : vector<16xf32>
        %parallel_loop3A_199 = tpu.bitcast %parallel_loop3A_198 : vector<16xf32> -> vector<16xi32>
        %parallel_loop3A_200 = arith.addi %parallel_loop3A_199, %add3A_157 : vector<16xi32>
        %parallel_loop3A_201 = arith.constant 0x4B800000 : f32
        %parallel_loop3A_202 = vector.broadcast %parallel_loop3A_201 : f32 to vector<16xf32>
        %parallel_loop3A_203 = arith.addf %parallel_loop3A_195, %parallel_loop3A_202 : vector<16xf32>
        %parallel_loop3A_204 = tpu.bitcast %parallel_loop3A_203 : vector<16xf32> -> vector<16xi32>
        %parallel_loop3A_205 = arith.constant -1266155520 : i32
        %parallel_loop3A_206 = vector.broadcast %parallel_loop3A_205 : i32 to vector<16xi32>
        %parallel_loop3A_207 = arith.addi %parallel_loop3A_204, %parallel_loop3A_206 : vector<16xi32>
        tpu.vector_store_idx %arg7[%parallel_loop3A_200], %parallel_loop3A_207 {add = true} : memref<24592xi32, #tpu.memory_space<vmem>>[vector<16xi32>], vector<16xi32>,
      } {sc.loop_unroll_factor = 8 : i64, sc.parallel_access}
      %add3A_161 = arith.constant 2 : i32
      %add3A_162 = arith.addi %add3A_111, %add3A_161 : i32
      %lt3A_163 = arith.constant 24 : i32
      %lt3A_164 = arith.cmpi slt, %add3A_162, %lt3A_163 : i32
      %convert_element_type3A_165 = arith.extui %lt3A_164 : i1 to i32
      %cond3A_166 = arith.constant 0 : i32
      %cond3A_167 = arith.cmpi ne, %convert_element_type3A_165, %cond3A_166 : i32
      scf.if %cond3A_167 {
        %add3A_168 = arith.constant 2 : i32
        %add3A_169 = arith.addi %add3A_111, %add3A_168 : i32
        %jit3A_170 = arith.constant 4 : i32
        %div3A_171 = arith.divsi %add3A_169, %jit3A_170 : i32
        %sign3A_172 = arith.constant 0 : i32
        %sign3A_173 = arith.cmpi sgt, %add3A_169, %sign3A_172 : i32
        %sign3A_174 = arith.extui %sign3A_173 : i1 to i32
        %sign3A_175 = arith.constant 0 : i32
        %sign3A_176 = arith.cmpi slt, %add3A_169, %sign3A_175 : i32
        %sign3A_177 = arith.extui %sign3A_176 : i1 to i32
        %sign3A_178 = arith.subi %sign3A_174, %sign3A_177 : i32
        %sign3A_179 = arith.constant 0 : i32
        %sign3A_180 = arith.cmpi sgt, %jit3A_170, %sign3A_179 : i32
        %sign3A_181 = arith.extui %sign3A_180 : i1 to i32
        %sign3A_182 = arith.constant 0 : i32
        %sign3A_183 = arith.cmpi slt, %jit3A_170, %sign3A_182 : i32
        %sign3A_184 = arith.extui %sign3A_183 : i1 to i32
        %sign3A_185 = arith.subi %sign3A_181, %sign3A_184 : i32
        %ne3A_186 = arith.cmpi ne, %sign3A_178, %sign3A_185 : i32
        %rem3A_187 = arith.remsi %add3A_169, %jit3A_170 : i32
        %ne3A_188 = arith.constant 0 : i32
        %ne3A_189 = arith.cmpi ne, %rem3A_187, %ne3A_188 : i32
        %and3A_190 = arith.andi %ne3A_186, %ne3A_189 : i1
        %sub3A_191 = arith.constant 1 : i32
        %sub3A_192 = arith.subi %div3A_171, %sub3A_191 : i32
        %select_n3A_193 = arith.select %and3A_190, %sub3A_192, %div3A_171 : i32
        %rem3A_194 = arith.constant 4 : i32
        %rem3A_195 = arith.remsi %add3A_169, %rem3A_194 : i32
        %mul3A_196 = arith.constant 2097152 : i32
        %mul3A_197 = arith.muli %select_n3A_193, %mul3A_196 : i32
        %mul3A_198 = arith.constant 65536 : i32
        %mul3A_199 = arith.muli %add3A, %mul3A_198 : i32
        %add3A_200 = arith.addi %mul3A_197, %mul3A_199 : i32
        %mul3A_201 = arith.constant 16384 : i32
        %mul3A_202 = arith.muli %rem3A_195, %mul3A_201 : i32
        %add3A_203 = arith.addi %add3A_200, %mul3A_202 : i32
        %dma_start3A_204 = arith.constant 16384 : i32
        %dma_start3A_205 = tpu.memref_slice %arg5[%dma_start3A_204] : memref<32768xf32, #tpu.memory_space<vmem>> -> memref<16384xf32, #tpu.memory_space<vmem>>
        %dma_start3A_206 = tpu.memref_slice %arg2[%add3A_203] : memref<12582912xf32, #tpu.memory_space<hbm>> -> memref<16384xf32, #tpu.memory_space<hbm>>
        %dma_start3A_207 = arith.constant 16384 : i32
        %dma_start3A_208 = tpu.memref_slice %arg5[%dma_start3A_207] : memref<32768xf32, #tpu.memory_space<vmem>> -> memref<16384xf32, #tpu.memory_space<vmem>>
        %dma_start3A_209 = tpu.memref_slice %arg2[%add3A_203] : memref<12582912xf32, #tpu.memory_space<hbm>> -> memref<16384xf32, #tpu.memory_space<hbm>>
        tpu.enqueue_dma source(%dma_start3A_209 : memref<16384xf32, #tpu.memory_space<hbm>>) target(%dma_start3A_208 : memref<16384xf32, #tpu.memory_space<vmem>>) target_semaphore(%arg10 : memref<!tpu.dma_semaphore, #tpu.memory_space<semaphore_mem>>)
        %dma_start3A_210 = arith.constant 16384 : i32
        %dma_start3A_211 = tpu.memref_slice %arg6[%dma_start3A_210] : memref<32768xf32, #tpu.memory_space<vmem>> -> memref<16384xf32, #tpu.memory_space<vmem>>
        %dma_start3A_212 = tpu.memref_slice %arg3[%add3A_203] : memref<12582912xf32, #tpu.memory_space<hbm>> -> memref<16384xf32, #tpu.memory_space<hbm>>
        %dma_start3A_213 = arith.constant 16384 : i32
        %dma_start3A_214 = tpu.memref_slice %arg6[%dma_start3A_213] : memref<32768xf32, #tpu.memory_space<vmem>> -> memref<16384xf32, #tpu.memory_space<vmem>>
        %dma_start3A_215 = tpu.memref_slice %arg3[%add3A_203] : memref<12582912xf32, #tpu.memory_space<hbm>> -> memref<16384xf32, #tpu.memory_space<hbm>>
        tpu.enqueue_dma source(%dma_start3A_215 : memref<16384xf32, #tpu.memory_space<hbm>>) target(%dma_start3A_214 : memref<16384xf32, #tpu.memory_space<vmem>>) target_semaphore(%arg10 : memref<!tpu.dma_semaphore, #tpu.memory_space<semaphore_mem>>)
      } else {
      }
    }
    %scan3A_54 = arith.constant 12 : i32
    %parallel_loop3A_55 = arith.constant 0 : i32
    %parallel_loop3A_56 = arith.constant 96 : i32
    %parallel_loop3A_57 = arith.constant 1 : i32
    scf.for %parallel_loop3A_58 = %parallel_loop3A_55 to %parallel_loop3A_56 step %parallel_loop3A_57  : i32 {
      %parallel_loop3A_59 = arith.constant 16 : i32
      %parallel_loop3A_60 = arith.divsi %parallel_loop3A_58, %parallel_loop3A_59 : i32
      %parallel_loop3A_61 = arith.constant 0 : i32
      %parallel_loop3A_62 = arith.cmpi sgt, %parallel_loop3A_58, %parallel_loop3A_61 : i32
      %parallel_loop3A_63 = arith.extui %parallel_loop3A_62 : i1 to i32
      %parallel_loop3A_64 = arith.constant 0 : i32
      %parallel_loop3A_65 = arith.cmpi slt, %parallel_loop3A_58, %parallel_loop3A_64 : i32
      %parallel_loop3A_66 = arith.extui %parallel_loop3A_65 : i1 to i32
      %parallel_loop3A_67 = arith.subi %parallel_loop3A_63, %parallel_loop3A_66 : i32
      %parallel_loop3A_68 = arith.constant 0 : i32
      %parallel_loop3A_69 = arith.cmpi sgt, %parallel_loop3A_59, %parallel_loop3A_68 : i32
      %parallel_loop3A_70 = arith.extui %parallel_loop3A_69 : i1 to i32
      %parallel_loop3A_71 = arith.constant 0 : i32
      %parallel_loop3A_72 = arith.cmpi slt, %parallel_loop3A_59, %parallel_loop3A_71 : i32
      %parallel_loop3A_73 = arith.extui %parallel_loop3A_72 : i1 to i32
      %parallel_loop3A_74 = arith.subi %parallel_loop3A_70, %parallel_loop3A_73 : i32
      %parallel_loop3A_75 = arith.cmpi ne, %parallel_loop3A_67, %parallel_loop3A_74 : i32
      %parallel_loop3A_76 = arith.remsi %parallel_loop3A_58, %parallel_loop3A_59 : i32
      %parallel_loop3A_77 = arith.constant 0 : i32
      %parallel_loop3A_78 = arith.cmpi ne, %parallel_loop3A_76, %parallel_loop3A_77 : i32
      %parallel_loop3A_79 = arith.andi %parallel_loop3A_75, %parallel_loop3A_78 : i1
      %parallel_loop3A_80 = arith.constant 1 : i32
      %parallel_loop3A_81 = arith.subi %parallel_loop3A_60, %parallel_loop3A_80 : i32
      %parallel_loop3A_82 = arith.select %parallel_loop3A_79, %parallel_loop3A_81, %parallel_loop3A_60 : i32
      %parallel_loop3A_83 = arith.constant 16 : i32
      %parallel_loop3A_84 = arith.remsi %parallel_loop3A_58, %parallel_loop3A_83 : i32
      %parallel_loop3A_85 = arith.constant 256 : i32
      %parallel_loop3A_86 = arith.muli %parallel_loop3A_82, %parallel_loop3A_85 : i32
      %parallel_loop3A_87 = arith.constant 16 : i32
      %parallel_loop3A_88 = arith.muli %parallel_loop3A_84, %parallel_loop3A_87 : i32
      %parallel_loop3A_89 = arith.addi %parallel_loop3A_86, %parallel_loop3A_88 : i32
      %parallel_loop3A_90 = arith.constant 0 : i32
      %parallel_loop3A_91 = arith.addi %parallel_loop3A_90, %parallel_loop3A_89 : i32
      %parallel_loop3A_92 = arith.index_cast %parallel_loop3A_91 : i32 to index
      %parallel_loop3A_93 = tpu.vector_load %arg7[%parallel_loop3A_92] {strides = array<i32>} : memref<24592xi32, #tpu.memory_space<vmem>>, vector<16xi32>,
      %parallel_loop3A_94 = tpu.bitcast %parallel_loop3A_93 : vector<16xi32> -> vector<16xi32>
      %parallel_loop3A_95 = arith.constant 19 : i32
      %parallel_loop3A_96 = vector.broadcast %parallel_loop3A_95 : i32 to vector<16xi32>
      %parallel_loop3A_97 = arith.shrui %parallel_loop3A_94, %parallel_loop3A_96 : vector<16xi32>
      %parallel_loop3A_98 = tpu.bitcast %parallel_loop3A_97 : vector<16xi32> -> vector<16xi32>
      %parallel_loop3A_99 = arith.addi %broadcast_in_dim3A_3, %parallel_loop3A_98 : vector<16xi32>
      %parallel_loop3A_100 = arith.constant 524287 : i32
      %parallel_loop3A_101 = vector.broadcast %parallel_loop3A_100 : i32 to vector<16xi32>
      %parallel_loop3A_102 = arith.andi %parallel_loop3A_94, %parallel_loop3A_101 : vector<16xi32>
      %parallel_loop3A_103 = tpu.bitcast %parallel_loop3A_102 : vector<16xi32> -> vector<16xi32>
      %parallel_loop3A_104 = arith.addi %broadcast_in_dim3A_3, %parallel_loop3A_103 : vector<16xi32>
      %parallel_loop3A_105 = arith.constant 1537 : i32
      %parallel_loop3A_106 = arith.addi %parallel_loop3A_105, %parallel_loop3A_89 : i32
      %parallel_loop3A_107 = arith.index_cast %parallel_loop3A_106 : i32 to index
      %parallel_loop3A_108 = tpu.vector_load %arg7[%parallel_loop3A_107] {strides = array<i32>} : memref<24592xi32, #tpu.memory_space<vmem>>, vector<16xi32>,
      %parallel_loop3A_109 = tpu.bitcast %parallel_loop3A_108 : vector<16xi32> -> vector<16xi32>
      %parallel_loop3A_110 = arith.constant 19 : i32
      %parallel_loop3A_111 = vector.broadcast %parallel_loop3A_110 : i32 to vector<16xi32>
      %parallel_loop3A_112 = arith.shrui %parallel_loop3A_109, %parallel_loop3A_111 : vector<16xi32>
      %parallel_loop3A_113 = tpu.bitcast %parallel_loop3A_112 : vector<16xi32> -> vector<16xi32>
      %parallel_loop3A_114 = arith.addi %parallel_loop3A_99, %parallel_loop3A_113 : vector<16xi32>
      %parallel_loop3A_115 = arith.constant 524287 : i32
      %parallel_loop3A_116 = vector.broadcast %parallel_loop3A_115 : i32 to vector<16xi32>
      %parallel_loop3A_117 = arith.andi %parallel_loop3A_109, %parallel_loop3A_116 : vector<16xi32>
      %parallel_loop3A_118 = tpu.bitcast %parallel_loop3A_117 : vector<16xi32> -> vector<16xi32>
      %parallel_loop3A_119 = arith.addi %parallel_loop3A_104, %parallel_loop3A_118 : vector<16xi32>
      %parallel_loop3A_120 = arith.constant 3074 : i32
      %parallel_loop3A_121 = arith.addi %parallel_loop3A_120, %parallel_loop3A_89 : i32
      %parallel_loop3A_122 = arith.index_cast %parallel_loop3A_121 : i32 to index
      %parallel_loop3A_123 = tpu.vector_load %arg7[%parallel_loop3A_122] {strides = array<i32>} : memref<24592xi32, #tpu.memory_space<vmem>>, vector<16xi32>,
      %parallel_loop3A_124 = tpu.bitcast %parallel_loop3A_123 : vector<16xi32> -> vector<16xi32>
      %parallel_loop3A_125 = arith.constant 19 : i32
      %parallel_loop3A_126 = vector.broadcast %parallel_loop3A_125 : i32 to vector<16xi32>
      %parallel_loop3A_127 = arith.shrui %parallel_loop3A_124, %parallel_loop3A_126 : vector<16xi32>
      %parallel_loop3A_128 = tpu.bitcast %parallel_loop3A_127 : vector<16xi32> -> vector<16xi32>
      %parallel_loop3A_129 = arith.addi %parallel_loop3A_114, %parallel_loop3A_128 : vector<16xi32>
      %parallel_loop3A_130 = arith.constant 524287 : i32
      %parallel_loop3A_131 = vector.broadcast %parallel_loop3A_130 : i32 to vector<16xi32>
      %parallel_loop3A_132 = arith.andi %parallel_loop3A_124, %parallel_loop3A_131 : vector<16xi32>
      %parallel_loop3A_133 = tpu.bitcast %parallel_loop3A_132 : vector<16xi32> -> vector<16xi32>
      %parallel_loop3A_134 = arith.addi %parallel_loop3A_119, %parallel_loop3A_133 : vector<16xi32>
      %parallel_loop3A_135 = arith.constant 4611 : i32
      %parallel_loop3A_136 = arith.addi %parallel_loop3A_135, %parallel_loop3A_89 : i32
      %parallel_loop3A_137 = arith.index_cast %parallel_loop3A_136 : i32 to index
      %parallel_loop3A_138 = tpu.vector_load %arg7[%parallel_loop3A_137] {strides = array<i32>} : memref<24592xi32, #tpu.memory_space<vmem>>, vector<16xi32>,
      %parallel_loop3A_139 = tpu.bitcast %parallel_loop3A_138 : vector<16xi32> -> vector<16xi32>
      %parallel_loop3A_140 = arith.constant 19 : i32
      %parallel_loop3A_141 = vector.broadcast %parallel_loop3A_140 : i32 to vector<16xi32>
      %parallel_loop3A_142 = arith.shrui %parallel_loop3A_139, %parallel_loop3A_141 : vector<16xi32>
      %parallel_loop3A_143 = tpu.bitcast %parallel_loop3A_142 : vector<16xi32> -> vector<16xi32>
      %parallel_loop3A_144 = arith.addi %parallel_loop3A_129, %parallel_loop3A_143 : vector<16xi32>
      %parallel_loop3A_145 = arith.constant 524287 : i32
      %parallel_loop3A_146 = vector.broadcast %parallel_loop3A_145 : i32 to vector<16xi32>
      %parallel_loop3A_147 = arith.andi %parallel_loop3A_139, %parallel_loop3A_146 : vector<16xi32>
      %parallel_loop3A_148 = tpu.bitcast %parallel_loop3A_147 : vector<16xi32> -> vector<16xi32>
      %parallel_loop3A_149 = arith.addi %parallel_loop3A_134, %parallel_loop3A_148 : vector<16xi32>
      %parallel_loop3A_150 = arith.constant 6148 : i32
      %parallel_loop3A_151 = arith.addi %parallel_loop3A_150, %parallel_loop3A_89 : i32
      %parallel_loop3A_152 = arith.index_cast %parallel_loop3A_151 : i32 to index
      %parallel_loop3A_153 = tpu.vector_load %arg7[%parallel_loop3A_152] {strides = array<i32>} : memref<24592xi32, #tpu.memory_space<vmem>>, vector<16xi32>,
      %parallel_loop3A_154 = tpu.bitcast %parallel_loop3A_153 : vector<16xi32> -> vector<16xi32>
      %parallel_loop3A_155 = arith.constant 19 : i32
      %parallel_loop3A_156 = vector.broadcast %parallel_loop3A_155 : i32 to vector<16xi32>
      %parallel_loop3A_157 = arith.shrui %parallel_loop3A_154, %parallel_loop3A_156 : vector<16xi32>
      %parallel_loop3A_158 = tpu.bitcast %parallel_loop3A_157 : vector<16xi32> -> vector<16xi32>
      %parallel_loop3A_159 = arith.addi %parallel_loop3A_144, %parallel_loop3A_158 : vector<16xi32>
      %parallel_loop3A_160 = arith.constant 524287 : i32
      %parallel_loop3A_161 = vector.broadcast %parallel_loop3A_160 : i32 to vector<16xi32>
      %parallel_loop3A_162 = arith.andi %parallel_loop3A_154, %parallel_loop3A_161 : vector<16xi32>
      %parallel_loop3A_163 = tpu.bitcast %parallel_loop3A_162 : vector<16xi32> -> vector<16xi32>
      %parallel_loop3A_164 = arith.addi %parallel_loop3A_149, %parallel_loop3A_163 : vector<16xi32>
      %parallel_loop3A_165 = arith.constant 7685 : i32
      %parallel_loop3A_166 = arith.addi %parallel_loop3A_165, %parallel_loop3A_89 : i32
      %parallel_loop3A_167 = arith.index_cast %parallel_loop3A_166 : i32 to index
      %parallel_loop3A_168 = tpu.vector_load %arg7[%parallel_loop3A_167] {strides = array<i32>} : memref<24592xi32, #tpu.memory_space<vmem>>, vector<16xi32>,
      %parallel_loop3A_169 = tpu.bitcast %parallel_loop3A_168 : vector<16xi32> -> vector<16xi32>
      %parallel_loop3A_170 = arith.constant 19 : i32
      %parallel_loop3A_171 = vector.broadcast %parallel_loop3A_170 : i32 to vector<16xi32>
      %parallel_loop3A_172 = arith.shrui %parallel_loop3A_169, %parallel_loop3A_171 : vector<16xi32>
      %parallel_loop3A_173 = tpu.bitcast %parallel_loop3A_172 : vector<16xi32> -> vector<16xi32>
      %parallel_loop3A_174 = arith.addi %parallel_loop3A_159, %parallel_loop3A_173 : vector<16xi32>
      %parallel_loop3A_175 = arith.constant 524287 : i32
      %parallel_loop3A_176 = vector.broadcast %parallel_loop3A_175 : i32 to vector<16xi32>
      %parallel_loop3A_177 = arith.andi %parallel_loop3A_169, %parallel_loop3A_176 : vector<16xi32>
      %parallel_loop3A_178 = tpu.bitcast %parallel_loop3A_177 : vector<16xi32> -> vector<16xi32>
      %parallel_loop3A_179 = arith.addi %parallel_loop3A_164, %parallel_loop3A_178 : vector<16xi32>
      %parallel_loop3A_180 = arith.constant 9222 : i32
      %parallel_loop3A_181 = arith.addi %parallel_loop3A_180, %parallel_loop3A_89 : i32
      %parallel_loop3A_182 = arith.index_cast %parallel_loop3A_181 : i32 to index
      %parallel_loop3A_183 = tpu.vector_load %arg7[%parallel_loop3A_182] {strides = array<i32>} : memref<24592xi32, #tpu.memory_space<vmem>>, vector<16xi32>,
      %parallel_loop3A_184 = tpu.bitcast %parallel_loop3A_183 : vector<16xi32> -> vector<16xi32>
      %parallel_loop3A_185 = arith.constant 19 : i32
      %parallel_loop3A_186 = vector.broadcast %parallel_loop3A_185 : i32 to vector<16xi32>
      %parallel_loop3A_187 = arith.shrui %parallel_loop3A_184, %parallel_loop3A_186 : vector<16xi32>
      %parallel_loop3A_188 = tpu.bitcast %parallel_loop3A_187 : vector<16xi32> -> vector<16xi32>
      %parallel_loop3A_189 = arith.addi %parallel_loop3A_174, %parallel_loop3A_188 : vector<16xi32>
      %parallel_loop3A_190 = arith.constant 524287 : i32
      %parallel_loop3A_191 = vector.broadcast %parallel_loop3A_190 : i32 to vector<16xi32>
      %parallel_loop3A_192 = arith.andi %parallel_loop3A_184, %parallel_loop3A_191 : vector<16xi32>
      %parallel_loop3A_193 = tpu.bitcast %parallel_loop3A_192 : vector<16xi32> -> vector<16xi32>
      %parallel_loop3A_194 = arith.addi %parallel_loop3A_179, %parallel_loop3A_193 : vector<16xi32>
      %parallel_loop3A_195 = arith.constant 10759 : i32
      %parallel_loop3A_196 = arith.addi %parallel_loop3A_195, %parallel_loop3A_89 : i32
      %parallel_loop3A_197 = arith.index_cast %parallel_loop3A_196 : i32 to index
      %parallel_loop3A_198 = tpu.vector_load %arg7[%parallel_loop3A_197] {strides = array<i32>} : memref<24592xi32, #tpu.memory_space<vmem>>, vector<16xi32>,
      %parallel_loop3A_199 = tpu.bitcast %parallel_loop3A_198 : vector<16xi32> -> vector<16xi32>
      %parallel_loop3A_200 = arith.constant 19 : i32
      %parallel_loop3A_201 = vector.broadcast %parallel_loop3A_200 : i32 to vector<16xi32>
      %parallel_loop3A_202 = arith.shrui %parallel_loop3A_199, %parallel_loop3A_201 : vector<16xi32>
      %parallel_loop3A_203 = tpu.bitcast %parallel_loop3A_202 : vector<16xi32> -> vector<16xi32>
      %parallel_loop3A_204 = arith.addi %parallel_loop3A_189, %parallel_loop3A_203 : vector<16xi32>
      %parallel_loop3A_205 = arith.constant 524287 : i32
      %parallel_loop3A_206 = vector.broadcast %parallel_loop3A_205 : i32 to vector<16xi32>
      %parallel_loop3A_207 = arith.andi %parallel_loop3A_199, %parallel_loop3A_206 : vector<16xi32>
      %parallel_loop3A_208 = tpu.bitcast %parallel_loop3A_207 : vector<16xi32> -> vector<16xi32>
      %parallel_loop3A_209 = arith.addi %parallel_loop3A_194, %parallel_loop3A_208 : vector<16xi32>
      %parallel_loop3A_210 = arith.constant 12296 : i32
      %parallel_loop3A_211 = arith.addi %parallel_loop3A_210, %parallel_loop3A_89 : i32
      %parallel_loop3A_212 = arith.index_cast %parallel_loop3A_211 : i32 to index
      %parallel_loop3A_213 = tpu.vector_load %arg7[%parallel_loop3A_212] {strides = array<i32>} : memref<24592xi32, #tpu.memory_space<vmem>>, vector<16xi32>,
      %parallel_loop3A_214 = tpu.bitcast %parallel_loop3A_213 : vector<16xi32> -> vector<16xi32>
      %parallel_loop3A_215 = arith.constant 19 : i32
      %parallel_loop3A_216 = vector.broadcast %parallel_loop3A_215 : i32 to vector<16xi32>
      %parallel_loop3A_217 = arith.shrui %parallel_loop3A_214, %parallel_loop3A_216 : vector<16xi32>
      %parallel_loop3A_218 = tpu.bitcast %parallel_loop3A_217 : vector<16xi32> -> vector<16xi32>
      %parallel_loop3A_219 = arith.addi %parallel_loop3A_204, %parallel_loop3A_218 : vector<16xi32>
      %parallel_loop3A_220 = arith.constant 524287 : i32
      %parallel_loop3A_221 = vector.broadcast %parallel_loop3A_220 : i32 to vector<16xi32>
      %parallel_loop3A_222 = arith.andi %parallel_loop3A_214, %parallel_loop3A_221 : vector<16xi32>
      %parallel_loop3A_223 = tpu.bitcast %parallel_loop3A_222 : vector<16xi32> -> vector<16xi32>
      %parallel_loop3A_224 = arith.addi %parallel_loop3A_209, %parallel_loop3A_223 : vector<16xi32>
      %parallel_loop3A_225 = arith.constant 13833 : i32
      %parallel_loop3A_226 = arith.addi %parallel_loop3A_225, %parallel_loop3A_89 : i32
      %parallel_loop3A_227 = arith.index_cast %parallel_loop3A_226 : i32 to index
      %parallel_loop3A_228 = tpu.vector_load %arg7[%parallel_loop3A_227] {strides = array<i32>} : memref<24592xi32, #tpu.memory_space<vmem>>, vector<16xi32>,
      %parallel_loop3A_229 = tpu.bitcast %parallel_loop3A_228 : vector<16xi32> -> vector<16xi32>
      %parallel_loop3A_230 = arith.constant 19 : i32
      %parallel_loop3A_231 = vector.broadcast %parallel_loop3A_230 : i32 to vector<16xi32>
      %parallel_loop3A_232 = arith.shrui %parallel_loop3A_229, %parallel_loop3A_231 : vector<16xi32>
      %parallel_loop3A_233 = tpu.bitcast %parallel_loop3A_232 : vector<16xi32> -> vector<16xi32>
      %parallel_loop3A_234 = arith.addi %parallel_loop3A_219, %parallel_loop3A_233 : vector<16xi32>
      %parallel_loop3A_235 = arith.constant 524287 : i32
      %parallel_loop3A_236 = vector.broadcast %parallel_loop3A_235 : i32 to vector<16xi32>
      %parallel_loop3A_237 = arith.andi %parallel_loop3A_229, %parallel_loop3A_236 : vector<16xi32>
      %parallel_loop3A_238 = tpu.bitcast %parallel_loop3A_237 : vector<16xi32> -> vector<16xi32>
      %parallel_loop3A_239 = arith.addi %parallel_loop3A_224, %parallel_loop3A_238 : vector<16xi32>
      %parallel_loop3A_240 = arith.constant 15370 : i32
      %parallel_loop3A_241 = arith.addi %parallel_loop3A_240, %parallel_loop3A_89 : i32
      %parallel_loop3A_242 = arith.index_cast %parallel_loop3A_241 : i32 to index
      %parallel_loop3A_243 = tpu.vector_load %arg7[%parallel_loop3A_242] {strides = array<i32>} : memref<24592xi32, #tpu.memory_space<vmem>>, vector<16xi32>,
      %parallel_loop3A_244 = tpu.bitcast %parallel_loop3A_243 : vector<16xi32> -> vector<16xi32>
      %parallel_loop3A_245 = arith.constant 19 : i32
      %parallel_loop3A_246 = vector.broadcast %parallel_loop3A_245 : i32 to vector<16xi32>
      %parallel_loop3A_247 = arith.shrui %parallel_loop3A_244, %parallel_loop3A_246 : vector<16xi32>
      %parallel_loop3A_248 = tpu.bitcast %parallel_loop3A_247 : vector<16xi32> -> vector<16xi32>
      %parallel_loop3A_249 = arith.addi %parallel_loop3A_234, %parallel_loop3A_248 : vector<16xi32>
      %parallel_loop3A_250 = arith.constant 524287 : i32
      %parallel_loop3A_251 = vector.broadcast %parallel_loop3A_250 : i32 to vector<16xi32>
      %parallel_loop3A_252 = arith.andi %parallel_loop3A_244, %parallel_loop3A_251 : vector<16xi32>
      %parallel_loop3A_253 = tpu.bitcast %parallel_loop3A_252 : vector<16xi32> -> vector<16xi32>
      %parallel_loop3A_254 = arith.addi %parallel_loop3A_239, %parallel_loop3A_253 : vector<16xi32>
      %parallel_loop3A_255 = arith.constant 16907 : i32
      %parallel_loop3A_256 = arith.addi %parallel_loop3A_255, %parallel_loop3A_89 : i32
      %parallel_loop3A_257 = arith.index_cast %parallel_loop3A_256 : i32 to index
      %parallel_loop3A_258 = tpu.vector_load %arg7[%parallel_loop3A_257] {strides = array<i32>} : memref<24592xi32, #tpu.memory_space<vmem>>, vector<16xi32>,
      %parallel_loop3A_259 = tpu.bitcast %parallel_loop3A_258 : vector<16xi32> -> vector<16xi32>
      %parallel_loop3A_260 = arith.constant 19 : i32
      %parallel_loop3A_261 = vector.broadcast %parallel_loop3A_260 : i32 to vector<16xi32>
      %parallel_loop3A_262 = arith.shrui %parallel_loop3A_259, %parallel_loop3A_261 : vector<16xi32>
      %parallel_loop3A_263 = tpu.bitcast %parallel_loop3A_262 : vector<16xi32> -> vector<16xi32>
      %parallel_loop3A_264 = arith.addi %parallel_loop3A_249, %parallel_loop3A_263 : vector<16xi32>
      %parallel_loop3A_265 = arith.constant 524287 : i32
      %parallel_loop3A_266 = vector.broadcast %parallel_loop3A_265 : i32 to vector<16xi32>
      %parallel_loop3A_267 = arith.andi %parallel_loop3A_259, %parallel_loop3A_266 : vector<16xi32>
      %parallel_loop3A_268 = tpu.bitcast %parallel_loop3A_267 : vector<16xi32> -> vector<16xi32>
      %parallel_loop3A_269 = arith.addi %parallel_loop3A_254, %parallel_loop3A_268 : vector<16xi32>
      %parallel_loop3A_270 = arith.constant 18444 : i32
      %parallel_loop3A_271 = arith.addi %parallel_loop3A_270, %parallel_loop3A_89 : i32
      %parallel_loop3A_272 = arith.index_cast %parallel_loop3A_271 : i32 to index
      %parallel_loop3A_273 = tpu.vector_load %arg7[%parallel_loop3A_272] {strides = array<i32>} : memref<24592xi32, #tpu.memory_space<vmem>>, vector<16xi32>,
      %parallel_loop3A_274 = tpu.bitcast %parallel_loop3A_273 : vector<16xi32> -> vector<16xi32>
      %parallel_loop3A_275 = arith.constant 19 : i32
      %parallel_loop3A_276 = vector.broadcast %parallel_loop3A_275 : i32 to vector<16xi32>
      %parallel_loop3A_277 = arith.shrui %parallel_loop3A_274, %parallel_loop3A_276 : vector<16xi32>
      %parallel_loop3A_278 = tpu.bitcast %parallel_loop3A_277 : vector<16xi32> -> vector<16xi32>
      %parallel_loop3A_279 = arith.addi %parallel_loop3A_264, %parallel_loop3A_278 : vector<16xi32>
      %parallel_loop3A_280 = arith.constant 524287 : i32
      %parallel_loop3A_281 = vector.broadcast %parallel_loop3A_280 : i32 to vector<16xi32>
      %parallel_loop3A_282 = arith.andi %parallel_loop3A_274, %parallel_loop3A_281 : vector<16xi32>
      %parallel_loop3A_283 = tpu.bitcast %parallel_loop3A_282 : vector<16xi32> -> vector<16xi32>
      %parallel_loop3A_284 = arith.addi %parallel_loop3A_269, %parallel_loop3A_283 : vector<16xi32>
      %parallel_loop3A_285 = arith.constant 19981 : i32
      %parallel_loop3A_286 = arith.addi %parallel_loop3A_285, %parallel_loop3A_89 : i32
      %parallel_loop3A_287 = arith.index_cast %parallel_loop3A_286 : i32 to index
      %parallel_loop3A_288 = tpu.vector_load %arg7[%parallel_loop3A_287] {strides = array<i32>} : memref<24592xi32, #tpu.memory_space<vmem>>, vector<16xi32>,
      %parallel_loop3A_289 = tpu.bitcast %parallel_loop3A_288 : vector<16xi32> -> vector<16xi32>
      %parallel_loop3A_290 = arith.constant 19 : i32
      %parallel_loop3A_291 = vector.broadcast %parallel_loop3A_290 : i32 to vector<16xi32>
      %parallel_loop3A_292 = arith.shrui %parallel_loop3A_289, %parallel_loop3A_291 : vector<16xi32>
      %parallel_loop3A_293 = tpu.bitcast %parallel_loop3A_292 : vector<16xi32> -> vector<16xi32>
      %parallel_loop3A_294 = arith.addi %parallel_loop3A_279, %parallel_loop3A_293 : vector<16xi32>
      %parallel_loop3A_295 = arith.constant 524287 : i32
      %parallel_loop3A_296 = vector.broadcast %parallel_loop3A_295 : i32 to vector<16xi32>
      %parallel_loop3A_297 = arith.andi %parallel_loop3A_289, %parallel_loop3A_296 : vector<16xi32>
      %parallel_loop3A_298 = tpu.bitcast %parallel_loop3A_297 : vector<16xi32> -> vector<16xi32>
      %parallel_loop3A_299 = arith.addi %parallel_loop3A_284, %parallel_loop3A_298 : vector<16xi32>
      %parallel_loop3A_300 = arith.constant 21518 : i32
      %parallel_loop3A_301 = arith.addi %parallel_loop3A_300, %parallel_loop3A_89 : i32
      %parallel_loop3A_302 = arith.index_cast %parallel_loop3A_301 : i32 to index
      %parallel_loop3A_303 = tpu.vector_load %arg7[%parallel_loop3A_302] {strides = array<i32>} : memref<24592xi32, #tpu.memory_space<vmem>>, vector<16xi32>,
      %parallel_loop3A_304 = tpu.bitcast %parallel_loop3A_303 : vector<16xi32> -> vector<16xi32>
      %parallel_loop3A_305 = arith.constant 19 : i32
      %parallel_loop3A_306 = vector.broadcast %parallel_loop3A_305 : i32 to vector<16xi32>
      %parallel_loop3A_307 = arith.shrui %parallel_loop3A_304, %parallel_loop3A_306 : vector<16xi32>
      %parallel_loop3A_308 = tpu.bitcast %parallel_loop3A_307 : vector<16xi32> -> vector<16xi32>
      %parallel_loop3A_309 = arith.addi %parallel_loop3A_294, %parallel_loop3A_308 : vector<16xi32>
      %parallel_loop3A_310 = arith.constant 524287 : i32
      %parallel_loop3A_311 = vector.broadcast %parallel_loop3A_310 : i32 to vector<16xi32>
      %parallel_loop3A_312 = arith.andi %parallel_loop3A_304, %parallel_loop3A_311 : vector<16xi32>
      %parallel_loop3A_313 = tpu.bitcast %parallel_loop3A_312 : vector<16xi32> -> vector<16xi32>
      %parallel_loop3A_314 = arith.addi %parallel_loop3A_299, %parallel_loop3A_313 : vector<16xi32>
      %parallel_loop3A_315 = arith.constant 23055 : i32
      %parallel_loop3A_316 = arith.addi %parallel_loop3A_315, %parallel_loop3A_89 : i32
      %parallel_loop3A_317 = arith.index_cast %parallel_loop3A_316 : i32 to index
      %parallel_loop3A_318 = tpu.vector_load %arg7[%parallel_loop3A_317] {strides = array<i32>} : memref<24592xi32, #tpu.memory_space<vmem>>, vector<16xi32>,
      %parallel_loop3A_319 = tpu.bitcast %parallel_loop3A_318 : vector<16xi32> -> vector<16xi32>
      %parallel_loop3A_320 = arith.constant 19 : i32
      %parallel_loop3A_321 = vector.broadcast %parallel_loop3A_320 : i32 to vector<16xi32>
      %parallel_loop3A_322 = arith.shrui %parallel_loop3A_319, %parallel_loop3A_321 : vector<16xi32>
      %parallel_loop3A_323 = tpu.bitcast %parallel_loop3A_322 : vector<16xi32> -> vector<16xi32>
      %parallel_loop3A_324 = arith.addi %parallel_loop3A_309, %parallel_loop3A_323 : vector<16xi32>
      %parallel_loop3A_325 = arith.constant 524287 : i32
      %parallel_loop3A_326 = vector.broadcast %parallel_loop3A_325 : i32 to vector<16xi32>
      %parallel_loop3A_327 = arith.andi %parallel_loop3A_319, %parallel_loop3A_326 : vector<16xi32>
      %parallel_loop3A_328 = tpu.bitcast %parallel_loop3A_327 : vector<16xi32> -> vector<16xi32>
      %parallel_loop3A_329 = arith.addi %parallel_loop3A_314, %parallel_loop3A_328 : vector<16xi32>
      %parallel_loop3A_330 = arith.sitofp %parallel_loop3A_324 : vector<16xi32> to vector<16xf32>
      %parallel_loop3A_331 = arith.constant 2 : i32
      %parallel_loop3A_332 = arith.muli %parallel_loop3A_82, %parallel_loop3A_331 : i32
      %parallel_loop3A_333 = arith.constant 0 : i32
      %parallel_loop3A_334 = arith.addi %parallel_loop3A_332, %parallel_loop3A_333 : i32
      %parallel_loop3A_335 = arith.constant 256 : i32
      %parallel_loop3A_336 = arith.muli %parallel_loop3A_334, %parallel_loop3A_335 : i32
      %parallel_loop3A_337 = arith.constant 16 : i32
      %parallel_loop3A_338 = arith.muli %parallel_loop3A_84, %parallel_loop3A_337 : i32
      %parallel_loop3A_339 = arith.addi %parallel_loop3A_336, %parallel_loop3A_338 : i32
      %parallel_loop3A_340 = arith.index_cast %parallel_loop3A_339 : i32 to index
      %parallel_loop3A_341 = tpu.vector_load %arg8[%parallel_loop3A_340] {strides = array<i32>} : memref<3072xf32, #tpu.memory_space<vmem>>, vector<16xf32>,
      tpu.vector_store %arg8[%parallel_loop3A_340], %parallel_loop3A_330 {strides = array<i32>} : memref<3072xf32, #tpu.memory_space<vmem>>, vector<16xf32>,
      %parallel_loop3A_342 = arith.sitofp %parallel_loop3A_329 : vector<16xi32> to vector<16xf32>
      %parallel_loop3A_343 = arith.constant 2 : i32
      %parallel_loop3A_344 = arith.muli %parallel_loop3A_82, %parallel_loop3A_343 : i32
      %parallel_loop3A_345 = arith.constant 1 : i32
      %parallel_loop3A_346 = arith.addi %parallel_loop3A_344, %parallel_loop3A_345 : i32
      %parallel_loop3A_347 = arith.constant 256 : i32
      %parallel_loop3A_348 = arith.muli %parallel_loop3A_346, %parallel_loop3A_347 : i32
      %parallel_loop3A_349 = arith.constant 16 : i32
      %parallel_loop3A_350 = arith.muli %parallel_loop3A_84, %parallel_loop3A_349 : i32
      %parallel_loop3A_351 = arith.addi %parallel_loop3A_348, %parallel_loop3A_350 : i32
      %parallel_loop3A_352 = arith.index_cast %parallel_loop3A_351 : i32 to index
      %parallel_loop3A_353 = tpu.vector_load %arg8[%parallel_loop3A_352] {strides = array<i32>} : memref<3072xf32, #tpu.memory_space<vmem>>, vector<16xf32>,
      tpu.vector_store %arg8[%parallel_loop3A_352], %parallel_loop3A_342 {strides = array<i32>} : memref<3072xf32, #tpu.memory_space<vmem>>, vector<16xf32>,
    } {sc.loop_unroll_factor = 1 : i64, sc.parallel_access}
    "tpu.region"() ({
      %run_scoped3A = tpu.sem_alloc : memref<!tpu.dma_semaphore, #tpu.memory_space<semaphore_mem>>
      %dma_start3A_58 = arith.constant 0 : i32
      %dma_start3A_59 = tpu.memref_slice %arg4[%add3A, %dma_start3A_58] : memref<32x3072xf32, #tpu.memory_space<hbm>> -> memref<1x3072xf32, #tpu.memory_space<hbm>>
      %dma_start3A_60 = tpu.memref_squeeze %dma_start3A_59 : memref<1x3072xf32, #tpu.memory_space<hbm>> -> memref<3072xf32, #tpu.memory_space<hbm>>
      %dma_start3A_61 = arith.constant 0 : i32
      %dma_start3A_62 = tpu.memref_slice %arg4[%add3A, %dma_start3A_61] : memref<32x3072xf32, #tpu.memory_space<hbm>> -> memref<1x3072xf32, #tpu.memory_space<hbm>>
      %dma_start3A_63 = tpu.memref_squeeze %dma_start3A_62 : memref<1x3072xf32, #tpu.memory_space<hbm>> -> memref<3072xf32, #tpu.memory_space<hbm>>
      tpu.enqueue_dma source(%arg8 : memref<3072xf32, #tpu.memory_space<vmem>>) target(%dma_start3A_63 : memref<3072xf32, #tpu.memory_space<hbm>>) target_semaphore(%run_scoped3A : memref<!tpu.dma_semaphore, #tpu.memory_space<semaphore_mem>>)
      %dma_wait3A = arith.constant 0 : i32
      %dma_wait3A_64 = tpu.memref_slice %arg4[%add3A, %dma_wait3A] : memref<32x3072xf32, #tpu.memory_space<hbm>> -> memref<1x3072xf32, #tpu.memory_space<hbm>>
      %dma_wait3A_65 = tpu.memref_squeeze %dma_wait3A_64 : memref<1x3072xf32, #tpu.memory_space<hbm>> -> memref<3072xf32, #tpu.memory_space<hbm>>
      %dma_wait3A_66 = arith.constant 0 : i32
      %dma_wait3A_67 = tpu.memref_slice %arg4[%add3A, %dma_wait3A_66] : memref<32x3072xf32, #tpu.memory_space<hbm>> -> memref<1x3072xf32, #tpu.memory_space<hbm>>
      %dma_wait3A_68 = tpu.memref_squeeze %dma_wait3A_67 : memref<1x3072xf32, #tpu.memory_space<hbm>> -> memref<3072xf32, #tpu.memory_space<hbm>>
      tpu.wait_dma2 semaphore(%run_scoped3A : memref<!tpu.dma_semaphore, #tpu.memory_space<semaphore_mem>>) src(%arg8 : memref<3072xf32, #tpu.memory_space<vmem>>) dst(%dma_wait3A_68 : memref<3072xf32, #tpu.memory_space<hbm>>)
      tpu.yield
    }) : () -> ()
    return
  }
}

</mosaic_0001>

<sc_bundles>
// kernel: kernel.3.cloned.1.call-start
scs
__scs_entry_jumppad:
0x0: {  	(pc) =	sbr.rel $0x88, $3  }
0x1: {  	(tag) =	ssettag $0x0;
	lr =	simm.s32 $0x1  }
0x2: {  	[smem:$0x3F9F] =	sst lr;
	_ =	strace $0xD0000000  }
0x3: {  	_ = 	snop  }
0x4: {  	_ = 	snop  }
0x5: {  	_ = 	snop  }
0x6: {  	_ = 	snop  }
0x7: {  	_ = 	snop  }
__scs_overlays_trampoline_lowered:
0x8: {  	[smem:$0x3FAE] =	sst s0  }
0x9: {  	[smem:$0x3FAF] =	sst s1  }
0xa: {  	[smem:$0x3FB0] =	sst s2  }
0xb: {  	[smem:$0x3FB1] =	sst s3  }
0xc: {  	[smem:$0x3FB2] =	sst s4  }
0xd: {  	[smem:$0x3FB3] =	sst s5  }
0xe: {  	[smem:$0x3FB4] =	sst s6  }
0xf: {  	[smem:$0x3FB5] =	sst s7  }
0x10: {  	[smem:$0x3FB6] =	sst s8  }
0x11: {  	[smem:$0x3FB7] =	sst s9;
	s0 =	simm.s32 @!p0 $0x0  }
0x12: {  	s1 =	sld [smem:$0x3F9D];
	s0 =	simm.s32 @p0 $0x1  }
0x13: {  	[smem:$0x3FB8] =	sst s0;
	s0 =	simm.s32 @!p1 $0x0  }
0x14: {  	s2 =	sld [smem:$0x3F9C];
	s0 =	simm.s32 @p1 $0x1  }
0x15: {  	[smem:$0x3FB9] =	sst s0;
	s0 =	simm.s32 @!p2 $0x0  }
0x16: {  	s3 =	sld [smem:$0x3FDB];
	s0 =	simm.s32 @p2 $0x1  }
0x17: {  	s4 =	simm.s32 $0x1BF5;
	[smem:$0x3FBB] =	sst s0  }
0x18: {  	s0 =	sld [smem:$0x3F9E];
	_ =	swait.ge [sflag:s4], $0x0  }
0x19: {  	s7 =	sld [smem:$0x3F9F]  }
0x1a: {  	s8 =	sadd.s32 $0xFFFFE003, lr  }
0x1b: {  	s9 =	sadd.s32 $0xFFFFFEF7, lr;
	s5 =	simm.s32 $0xFFFFFFFF;
	p2 =	slt.u32 s8, $0xFFFFF086  }
0x1c: {  	p1 =	slt.u32 s9, $0xF7A;
	s5 =	simm.s32 @!p2 $0x0  }
0x1d: {  	s5 =	simm.s32 @p1 $0x1;
	p0 =	seq.s32 s7, s2  }
0x1e: {  	s7 =	smul.u32 @!p0 $0xF7A, s2;
	p2 =	seq.s32 @!p0 s5, $0x0  }
0x1f: {  	s9 =	smul.u32 $0xF7A, s1;
	s8 =	simm.s32 @!p0 $0x1BF5;
	p2 =	por !p2, p0  }
0x20: {  	[sflag:s8] =	ssyncset.s32 @!p0 $0xFFFFF086;
	s6 =	sadd.s32 @!p0 s3, s7;
	s7 =	simm.s32 @!p0 $0x108  }
0x21: {  	s3 =	sadd.s32 s3, s9;
	s6 =	sadd.s32 @!p0 $0x88, s6;
	s7 =	simm.s32 @p2 $0x1082  }
0x22: {  	[simem:s7], [sflag:s8] =	dma.local @!p0 [hbm:s6], $0xF7A  }
0x23: {  	s9 =	sor.u32 $0xD0000000, s2;
	s6 =	simm.s32 $0x108;
	_ =	swait.ge @!p0 [sflag:s8], $0x0  }
0x24: {  	s3 =	sadd.s32 $0x88, s3;
	s6 =	simm.s32 @!p1 $0x1082;
	[sflag:s4] =	ssyncset.s32 $0xFFFFF086  }
0x25: {  	[simem:s6], [sflag:s4] =	dma.local [hbm:s3], $0xF7A  }
0x26: {  	[smem:$0x3F9F] =	sst s1;
	(tag) =	ssettag s2;
	_ =	strace s9  }
0x27: {  	s1 =	sld [smem:$0x3FAF]  }
0x28: {  	s2 =	sld [smem:$0x3FB0]  }
0x29: {  	s4 =	sld [smem:$0x3FB2]  }
0x2a: {  	p0 =	seq.s32 s5, $0x0;
	s5 =	sld [smem:$0x3FB3]  }
0x2b: {  	s6 =	sld [smem:$0x3FB4]  }
0x2c: {  	s7 =	sld [smem:$0x3FB5]  }
0x2d: {  	s3 =	simm.s32 $0x108;
	s8 =	sld [smem:$0x3FB6]  }
0x2e: {  	s3 =	simm.s32 @!p0 $0x1082;
	s9 =	sld [smem:$0x3FB7]  }
0x2f: {  	lr =	sadd.s32 s0, s3;
	s0 =	sld [smem:$0x3FAE]  }
0x30: {  	s3 =	sld [smem:$0x3FB1]  }
0x31: {  	[smem:$0x3FBA] =	sst s10  }
0x32: {  	s10 =	sld [smem:$0x3FB8];
	_ =	sdelay $0x3  }
0x33: {  	p0 =	seq.s32 s10, $0x1;
	s10 =	sld [smem:$0x3FBA];
	_ =	sdelay $0x3  }
0x34: {  	[smem:$0x3FBA] =	sst s10  }
0x35: {  	s10 =	sld [smem:$0x3FB9];
	_ =	sdelay $0x3  }
0x36: {  	p1 =	seq.s32 s10, $0x1;
	s10 =	sld [smem:$0x3FBA];
	_ =	sdelay $0x3  }
0x37: {  	[smem:$0x3FBA] =	sst s10  }
0x38: {  	s10 =	sld [smem:$0x3FBB]  }
0x39: {  	_ = 	snop;
	(pc) =	sbr.ind lr, $3  }
0x3a: {  	_ = 	snop  }
0x3b: {  	_ = 	snop  }
0x3c: {  	p2 =	seq.s32 s10, $0x1;
	s10 =	sld [smem:$0x3FBA]  }
0x3d: {  	_ =	shalt  }
0x3e: {  	_ =	shalt  }
0x3f: {  	_ =	shalt  }
0x40: {  	_ =	shalt  }
0x41: {  	_ =	shalt  }
0x42: {  	_ =	shalt  }
0x43: {  	_ =	shalt  }
0x44: {  	_ =	shalt  }
0x45: {  	_ =	shalt  }
0x46: {  	_ =	shalt  }
0x47: {  	_ =	shalt  }
0x48: {  	_ =	shalt  }
0x49: {  	_ =	shalt  }
0x4a: {  	_ =	shalt  }
0x4b: {  	_ =	shalt  }
0x4c: {  	_ =	shalt  }
0x4d: {  	_ =	shalt  }
0x4e: {  	_ =	shalt  }
0x4f: {  	_ =	shalt  }
0x50: {  	_ =	shalt  }
0x51: {  	_ =	shalt  }
0x52: {  	_ =	shalt  }
0x53: {  	_ =	shalt  }
0x54: {  	_ =	shalt  }
0x55: {  	_ =	shalt  }
0x56: {  	_ =	shalt  }
0x57: {  	_ =	shalt  }
0x58: {  	_ =	shalt  }
0x59: {  	_ =	shalt  }
0x5a: {  	_ =	shalt  }
0x5b: {  	_ =	shalt  }
0x5c: {  	_ =	shalt  }
0x5d: {  	_ =	shalt  }
0x5e: {  	_ =	shalt  }
0x5f: {  	_ =	shalt  }
0x60: {  	_ =	shalt  }
0x61: {  	_ =	shalt  }
0x62: {  	_ =	shalt  }
0x63: {  	_ =	shalt  }
0x64: {  	_ =	shalt  }
0x65: {  	_ =	shalt  }
0x66: {  	_ =	shalt  }
0x67: {  	_ =	shalt  }
0x68: {  	_ =	shalt  }
0x69: {  	_ =	shalt  }
0x6a: {  	_ =	shalt  }
0x6b: {  	_ =	shalt  }
0x6c: {  	_ =	shalt  }
0x6d: {  	_ =	shalt  }
0x6e: {  	_ =	shalt  }
0x6f: {  	_ =	shalt  }
0x70: {  	_ =	shalt  }
0x71: {  	_ =	shalt  }
0x72: {  	_ =	shalt  }
0x73: {  	_ =	shalt  }
0x74: {  	_ =	shalt  }
0x75: {  	_ =	shalt  }
0x76: {  	_ =	shalt  }
0x77: {  	_ =	shalt  }
0x78: {  	_ =	shalt  }
0x79: {  	_ =	shalt  }
0x7a: {  	_ =	shalt  }
0x7b: {  	_ =	shalt  }
0x7c: {  	_ =	shalt  }
0x7d: {  	_ =	shalt  }
0x7e: {  	_ =	shalt  }
0x7f: {  	_ =	shalt  }
0x80: {  	_ =	shalt  }
0x81: {  	_ =	shalt  }
0x82: {  	_ =	shalt  }
0x83: {  	_ =	shalt  }
0x84: {  	_ =	shalt  }
0x85: {  	_ =	shalt  }
0x86: {  	_ =	shalt  }
0x87: {  	_ =	shalt  }
.Lfunc_end0:
.L_simem_size_0:
called_computation_lowered:
.L_overlay_start_0:
0x88: {  	s2 =	sld [smem:$0x3FD9]  }
0x89: {  	s3 =	sld [smem:$0x3FFE];
	_ =	sdelay $0x1  }
0x8a: {  	s1 =	srdreg.scid  }
0x8b: {  	s0 =	sand.u32 $0x1, s1  }
0x8c: {  	s17 =	sshll.u32 s0, $0xA;
	s2 =	sadd.s32 s3, s2  }
0x8d: {  	s2 =	sadd.s32 s2, s17  }
0x8e: {  	[smem:$0x3FC6] =	sst s2  }
0x8f: {  	_ = 	snop  }
0x90: {  	s2 =	sld [smem:$0x3FC9]  }
0x91: {  	s18 =	sld [smem:$0x3FC8];
	(tm) =	ssettm $0x1  }
0x92: {  	s4 =	sld [smem:$0x3FFB];
	_ =	sdelay $0x3  }
0x93: {  	_ =	strace s4  }
0x94: {  	s4 =	sld [smem:$0x3FFC];
	_ =	sdelay $0x3  }
0x95: {  	_ =	strace s4  }
0x96: {  	s4 =	sld [smem:$0x3FFD];
	_ =	sdelay $0x3  }
0x97: {  	_ =	strace s4  }
0x98: {  	_ =	strace $0x8FFFFFFF  }
0x99: {  	s19 =	sld [smem:$0x3FDB];
	_ =	sdelay $0x1  }
0x9a: {  	s5 =	simm.s32 $_scs_section_size  }
0x9b: {  	s6 =	simm.s32 $_size__tile_overlayer_lowered;
	s7 =	simm.s32 $_tile_overlayer_lowered  }
0x9c: {  	s22 =	simm.s32 $0x1BFF;
	s21 =	sshll.u32 s7, $0x1;
	s4 =	sadd.s32 s5, s19  }
0x9d: {  	s8 =	simm.s32 $0x0;
	s20 =	sshll.u32 s6, $0x1;
	s6 =	sadd.s32 s21, s4  }
0x9e: {  	[timem:s8], [sflag:s22] =	dma.local [hbm:s6], s20  }
0x9f: {  	_ =	swait.ge [sflag:s22], s20  }
0xa0: {  	s5 =	ssub.s32 $0x0, s20;
	[sflag:s22] =	ssyncset.done $0x0  }
0xa1: {  	[sflag:s22] =	ssyncadd.s32 s5;
	_ =	sdelay $0x1  }
0xa2: {  	s23 =	simm.s32 $0x1B8B  }
0xa3: {  	_ =	swait.ge [sflag:s23], $0x1  }
0xa4: {  	[sflag:s23] =	ssyncset.done $0x0  }
0xa5: {  	s25 =	simm.s32 $0x1B8E;
	s24 =	sld [smem:$0x3FFE];
	[sflag:s23] =	ssyncadd.s32 $0xFFFFFFFF  }
0xa6: {  	s26 =	simm.s32 $execute0_lowered;
	[smem:$0x3FD2] =	sst s25  }
0xa7: {  	s6 =	sshll.u32 s26, $0x1;
	_ =	strace $0x80000046;
	[dreg:$0x1] =	wrdreg $0xFFFFFFFF  }
0xa8: {  	s28 =	simm.s32 $_size_execute0_lowered;
	s4 =	sadd.s32 s4, s6;
	[dreg:$0x0] =	wrdreg $0x0  }
0xa9: {  	s6 =	sshll.u32 s28, $0x1;
	[dreg:$0x2] =	wrdreg s4  }
0xaa: {  	[dreg:$0x3] =	wrdreg s6  }
0xab: {  	[dreg:$0x4] =	wrdreg $0xC0  }
0xac: {  	_ =	task [dreg:s8], $0x5FFFF  }
0xad: {  	[dreg:$0x1] =	wrdreg $0xFFFFFFFF  }
0xae: {  	[dreg:$0x0] =	wrdreg $0x60  }
0xaf: {  	[dreg:$0x2] =	wrdreg s2  }
0xb0: {  	[dreg:$0x3] =	wrdreg s18  }
0xb1: {  	[dreg:$0x4] =	wrdreg s24  }
0xb2: {  	[dreg:$0x5] =	wrdreg $0x9  }
0xb3: {  	_ =	task.clear_ibuf [dreg:s8], $0x6FFFF;
	_ =	strace $0x90000046  }
0xb4: {  	s29 =	simm.s32 $0x9;
	_ =	strace $0x80000048  }
0xb5: {  	_ =	swait.ge [sflag:s29], $0x1  }
0xb6: {  	[sflag:s29] =	ssyncadd.s32 $0xFFFFFFFF  }
0xb7: {  	_ =	strace $0x90000048  }
0xb8: {  	_ =	sfence  }
0xb9: {  	s30 =	sld [smem:$0x0];
	_ =	sdelay $0x2  }
0xba: {  	s31 =	sshll.u32 s1, $0xD;
	s1 =	sshrl.u32 s1, $0x2  }
0xbb: {  	s3 =	sand.u32 $0x4000, s31;
	s1 =	sadd.s32 s1, s30  }
0xbc: {  	s0 =	sor.u32 s3, s0;
	s1 =	sshll.u32 s1, $0x11  }
0xbd: {  	s0 =	sor.u32 s1, s0  }
0xbe: {  	s0 =	sadd.s32 $0x8F2B, s0  }
0xbf: {  	[sflag:s0] =	ssyncadd.remote.s32 $0x1  }
0xc0: {  	_ =	sfence.sel $0xFFFF  }
0xc1: {  	[dreg:$0x0] =	wrdreg $0xFFFFFFFF;
	(pc) =	sbr.abs _section_cstart, $3  }
0xc2: {  	[dreg:$0x1] =	wrdreg $0xFFFFFFFF  }
0xc3: {  	_ =	task.clear_ibuf [dreg:s8], $0x2FFFF;
	_ =	strace $0x9FFFFFFF  }
0xc4: {  	(tm) =	ssettm $0x7FFFFFFF  }
0xc5: {  	_ =	shalt  }
tec
execute0_lowered:
.L_overlay_start_1:
0x0: {  	(tag) =	ssettag $0x1  }
0x1: {  	s1 =	rddreg [dreg:$0x0]  }
0x2: {  	s2 =	rddreg [dreg:$0x1]  }
0x3: {  	s10 =	rddreg [dreg:$0x2];
	s4 =	simm.s32 $0x0  }
0x4: {  	s5 =	srdreg.scid;
	s0 =	stileid.u32;
	s14 =	simm.s32 $0xC000  }
0x5: {  	s15 =	simm.s32 $0x1;
	s16 =	simm.s32 $0x10000;
	s17 =	simm.s32 $0x2  }
0x6: {  	s18 =	simm.s32 $0x80;
	s19 =	simm.s32 $0x400;
	s20 =	simm.s32 $0x16080  }
0x7: {  	s21 =	simm.s32 $0x3;
	s22 =	simm.s32 $0x0;
	[smem:$0x7FF] =	sst s4  }
0x8: {  	s5 =	sand.u32 $0x1, s5;
	s6 =	sshll.u32 s0, $0x1;
	s28 =	sshrl.u32 s0, $0x2  }
0x9: {  	_ =	strace $0x80000047;
	s7 =	ssub.s32 $0x2, s5;
	s5 =	sor.u32 s5, s6  }
0xa: {  	s9 =	smul.u32 $0x6000, s28;
	s8 =	sshrl.u32 s7, $0x1;
	s29 =	sshll.u32 s5, $0x7  }
0xb: {  	s30 =	sshll.u32 s5, $0xD;
	s5 =	sshll.u32 s5, $0x10;
	s11 =	ssub.s32 s7, s8  }
0xc: {  	s31 =	sand.u32 $0x380, s29;
	s6 =	sadd.s32 s1, s30;
	s12 =	sor.u32 $0x800, s30  }
0xd: {  	s7 =	sadd.s32 s2, s30;
	s9 =	sor.u32 s9, s31;
	s8 =	sadd.s32 s1, s12  }
0xe: {  	v1 =	vlaneseq.u32;
	s11 =	smax.u32 s11, $0x1;
	s13 =	sshrl.u32 s9, $0x3;
	s9 =	sadd.s32 s2, s12  }
0xf: {  	v0 =	vimm.s32 $0x0;
	v1 =	vmul.u32 $0x601, v1;
	s12 =	simm.s32 $0x8000;
	s10 =	sadd.s32 s10, s13;
	s13 =	simm.s32 $0x4000  }
.LBB2_1:
0x10: {  	s23 =	simm.s32 $0x10040  }
0x11: {  	[tilespmem:s23+$0xFFFFFFC0] =	vst v0  }
0x12: {  	[tilespmem:s23+$0x30] =	vst v0  }
0x13: {  	[tilespmem:s23+$0x20] =	vst v0  }
0x14: {  	[tilespmem:s23+$0x10] =	vst v0  }
0x15: {  	[tilespmem:s23+$0x0] =	vst v0  }
0x16: {  	[tilespmem:s23+$0xFFFFFFF0] =	vst v0  }
0x17: {  	s24 =	simm.s32 $0x0;
	[tilespmem:s23+$0xFFFFFFE0] =	vst v0  }
.LBB2_2:
0x18: {  	s24 =	sadd.s32 $0x8, s24;
	[tilespmem:s23+$0xFFFFFFD0] =	vst v0;
	s23 =	sadd.s32 $0x80, s23  }
0x19: {  	[tilespmem:s23+$0xFFFFFFC0] =	vst v0;
	p0 =	slt.u32 s24, $0x5F8  }
0x1a: {  	[tilespmem:s23+$0x30] =	vst v0  }
.Ltmp0:
0x1b: {  	[tilespmem:s23+$0x20] =	vst v0;
	(pc) =	sbr.rel @p0 .LBB2_2-.Ltmp0, $4  }
0x1c: {  	[tilespmem:s23+$0x10] =	vst v0  }
0x1d: {  	[tilespmem:s23+$0x0] =	vst v0  }
0x1e: {  	[tilespmem:s23+$0xFFFFFFF0] =	vst v0  }
0x1f: {  	[tilespmem:s23+$0xFFFFFFE0] =	vst v0  }
0x20: {  	[tilespmem:s23+$0xFFFFFFD0] =	vst v0  }
0x21: {  	s23 =	simm.s32 $0x0;
	[tilespmem:$0x16000] =	vst v0  }
0x22: {  	[tilespmem:s23], [sflag:$0x1] =	stream.linear.gather [hbm4b:s6+s23], $0x4000, $0x38;
	[tilespmem:$0x16C80] =	vst v63  }
0x23: {  	_ = 	snop  }
0x24: {  	[tilespmem:s12], [sflag:$0x1] =	stream.linear.gather [hbm4b:s7+s23], $0x4000, $0x38;
	[tilespmem:$0x16C80] =	vst v63  }
0x25: {  	_ = 	snop  }
0x26: {  	[tilespmem:s13], [sflag:$0x2] =	stream.linear.gather [hbm4b:s8+s23], $0x4000, $0x38;
	[tilespmem:$0x16C80] =	vst v63  }
0x27: {  	_ = 	snop  }
0x28: {  	[tilespmem:s14], [sflag:$0x2] =	stream.linear.gather [hbm4b:s9+s23], $0x4000, $0x38;
	[tilespmem:$0x16C80] =	vst v63  }
.LBB2_4:
0x29: {  	_ =	swait.ge [sflag:s15], $0x4000  }
0x2a: {  	[sflag:s15] =	ssyncset.done $0x0  }
0x2b: {  	[sflag:s15] =	ssyncadd.s32 $0xFFFFC000  }
0x2c: {  	_ =	swait.ge [sflag:s15], $0x4000  }
0x2d: {  	[sflag:s15] =	ssyncset.done $0x0  }
0x2e: {  	s24 =	simm.s32 $0x40;
	[sflag:s15] =	ssyncadd.s32 $0xFFFFC000  }
0x2f: {  	v2 =	vld [tilespmem:s24+$0x30];
	_ =	sdelay $0x1  }
0x30: {  	v3 =	vld [tilespmem:s24+$0xFFFFFFD0]  }
0x31: {  	v4 =	vld [tilespmem:s24+$0xFFFFFFE0]  }
0x32: {  	v5 =	vld [tilespmem:s24+$0xFFFFFFF0]  }
0x33: {  	v2 =	vsub.f32 $0.0e+00, v2  }
0x34: {  	v6 =	vld [tilespmem:s24+$0x0]  }
0x35: {  	v7 =	vld [tilespmem:s24+$0xFFFFFFC0];
	v3 =	vsub.f32 $0.0e+00, v3;
	v2 =	vmul.f32 $1.442695020e+00, v2  }
0x36: {  	v4 =	vsub.f32 $0.0e+00, v4  }
0x37: {  	v8 =	vld [tilespmem:s24+$0x20];
	v5 =	vsub.f32 $0.0e+00, v5;
	v3 =	vmul.f32 $1.442695020e+00, v3;
	(erf) = vpow2.f32 v2  }
0x38: {  	v4 =	vmul.f32 $1.442695020e+00, v4;
	v2 =	vld [tilespmem:s24+$0x10]  }
0x39: {  	v5 =	vmul.f32 $1.442695020e+00, v5;
	(erf) = vpow2.f32 v3  }
0x3a: {  	v3 =	vsub.f32 $0.0e+00, v6;
	(erf) = vpow2.f32 v4;
	v4 =	vsub.f32 $0.0e+00, v7  }
0x3b: {  	(erf) = vpow2.f32 v5  }
0x3c: {  	v3 =	vmul.f32 $1.442695020e+00, v3;
	v5 =	vsub.f32 $0.0e+00, v8;
	v4 =	vmul.f32 $1.442695020e+00, v4  }
0x3d: {  	v2 =	vsub.f32 $0.0e+00, v2  }
0x3e: {  	(erf) = vpow2.f32 v3;
	v3 =	vmul.f32 $1.442695020e+00, v5  }
0x3f: {  	v2 =	vmul.f32 $1.442695020e+00, v2  }
0x40: {  	(erf) = vpow2.f32 v4;
	v4 =	vpop (erf)  }
0x41: {  	(erf) = vpow2.f32 v2;
	v2 =	vadd.f32 $1.000000000e+00, v4  }
0x42: {  	(erf) = vpow2.f32 v3;
	v3 =	vpop (erf)  }
0x43: {  	(erf) = vrcp.f32 v2;
	v2 =	vadd.f32 $1.000000000e+00, v3;
	v3 =	vpop (erf)  }
0x44: {  	v4 =	vpop (erf)  }
0x45: {  	v4 =	vadd.f32 $1.000000000e+00, v4  }
0x46: {  	v3 =	vadd.f32 $1.000000000e+00, v3  }
0x47: {  	s31 =	simm.s32 $0x8040;
	(erf) = vrcp.f32 v2  }
0x48: {  	(erf) = vrcp.f32 v3;
	v3 =	vld [tilespmem:s31+$0x30];
	v2 =	vpop (erf)  }
0x49: {  	s25 =	simm.s32 $0xC0;
	(erf) = vrcp.f32 v4;
	v4 =	vpop (erf)  }
0x4a: {  	v11 =	vld [tilespmem:s25+$0x30];
	v6 =	vpop (erf)  }
0x4b: {  	v12 =	vld [tilespmem:s25+$0xFFFFFFE0];
	v8 =	vpop (erf)  }
0x4c: {  	v13 =	vld [tilespmem:s25+$0xFFFFFFF0];
	v10 =	vpop (erf)  }
0x4d: {  	v3 =	vsub.f32 v10, v3;
	v10 =	vld [tilespmem:s25+$0xFFFFFFD0]  }
0x4e: {  	v5 =	vld [tilespmem:s31+$0xFFFFFFD0];
	v2 =	vadd.f32 $1.000000000e+00, v2;
	v4 =	vadd.f32 $1.000000000e+00, v4  }
0x4f: {  	v14 =	vld [tilespmem:s25+$0x10];
	v11 =	vsub.f32 $0.0e+00, v11  }
0x50: {  	v15 =	vld [tilespmem:s25+$0xFFFFFFC0];
	v12 =	vsub.f32 $0.0e+00, v12;
	(erf) = vrcp.f32 v2;
	v6 =	vadd.f32 $1.000000000e+00, v6  }
0x51: {  	v13 =	vsub.f32 $0.0e+00, v13;
	v7 =	vld [tilespmem:s31+$0xFFFFFFE0];
	(erf) = vrcp.f32 v4;
	v8 =	vadd.f32 $1.000000000e+00, v8  }
0x52: {  	v11 =	vmul.f32 $1.442695020e+00, v11;
	v4 =	vpop (erf);
	(erf) = vrcp.f32 v6;
	v6 =	vld [tilespmem:s25+$0x0];
	v10 =	vsub.f32 $0.0e+00, v10  }
0x53: {  	v12 =	vmul.f32 $1.442695020e+00, v12;
	v4 =	vsub.f32 v4, v5;
	v5 =	vpop (erf);
	(erf) = vrcp.f32 v8;
	v8 =	vld [tilespmem:s25+$0x20]  }
0x54: {  	v9 =	vld [tilespmem:s31+$0xFFFFFFF0];
	v14 =	vsub.f32 $0.0e+00, v14;
	v13 =	vmul.f32 $1.442695020e+00, v13;
	v10 =	vmul.f32 $1.442695020e+00, v10  }
0x55: {  	v15 =	vsub.f32 $0.0e+00, v15;
	v3 =	vmul.f32 $1.596000000e+01, v3;
	(erf) = vpow2.f32 v11  }
0x56: {  	v16 =	vld [tilespmem:s31+$0xFFFFFFC0];
	v14 =	vmul.f32 $1.442695020e+00, v14;
	v5 =	vsub.f32 v5, v7;
	v7 =	vpop (erf);
	(erf) = vpow2.f32 v10  }
0x57: {  	v17 =	vld [tilespmem:s31+$0x0];
	v15 =	vmul.f32 $1.442695020e+00, v15;
	v3 =	vmul.f32 v3, v3;
	v6 =	vsub.f32 $0.0e+00, v6  }
0x58: {  	v4 =	vmul.f32 $1.596000000e+01, v4;
	v5 =	vmul.f32 $1.596000000e+01, v5;
	v8 =	vsub.f32 $0.0e+00, v8  }
0x59: {  	v11 =	vld [tilespmem:s31+$0x10];
	v7 =	vsub.f32 v7, v9;
	v6 =	vmul.f32 $1.442695020e+00, v6;
	(erf) = vpow2.f32 v12  }
0x5a: {  	s26 =	sshll.u32 s23, $0x7;
	v9 =	vadd.f32 $8.388608000e+06, v3;
	v18 =	vpop (erf);
	v8 =	vmul.f32 $1.442695020e+00, v8;
	(erf) = vpow2.f32 v13  }
0x5b: {  	s26 =	sand.u32 $0x700, s26;
	v7 =	vmul.f32 $1.596000000e+01, v7;
	v3 =	vadd.f32 $1.677721600e+07, v3;
	v20 =	vpop (erf);
	(erf) = vpow2.f32 v6  }
0x5c: {  	s26 =	sor.u32 $0xB5000000, s26;
	v19 =	vld [tilespmem:s31+$0x20];
	v10 =	vsub.f32 v20, v16;
	v16 =	vsub.f32 v18, v17;
	v12 =	vpop (erf);
	(erf) = vpow2.f32 v15  }
0x5d: {  	v2 =	vadd.s32 s26, v1;
	v4 =	vmul.f32 v4, v4;
	v13 =	vpop (erf);
	(erf) = vpow2.f32 v14  }
0x5e: {  	v11 =	vsub.f32 v12, v11;
	v12 =	vmul.f32 $1.596000000e+01, v16;
	(erf) = vpow2.f32 v8;
	v8 =	vpop (erf)  }
0x5f: {  	v5 =	vmul.f32 v5, v5;
	v6 =	vmul.f32 $1.596000000e+01, v10;
	v14 =	vadd.s32 $0xB4880000, v3;
	v3 =	vpop (erf)  }
0x60: {  	v15 =	vadd.s32 v9, v2;
	v23 =	vmul.f32 v12, v12;
	v12 =	vadd.f32 $1.000000000e+00, v3  }
0x61: {  	v7 =	vmul.f32 v7, v7;
	v10 =	vsub.f32 v13, v19;
	v8 =	vadd.f32 $1.000000000e+00, v8  }
0x62: {  	v9 =	vmul.f32 $1.596000000e+01, v11;
	v6 =	vmul.f32 v6, v6;
	v3 =	vpop (erf)  }
0x63: {  	v11 =	vmul.f32 $1.596000000e+01, v10;
	(erf) = vrcp.f32 v8;
	v13 =	vpop (erf)  }
0x64: {  	v10 =	vmul.f32 v9, v9;
	v8 =	vadd.f32 $8.388608000e+06, v6;
	(erf) = vrcp.f32 v12;
	v12 =	vpop (erf)  }
0x65: {  	v9 =	vmul.f32 v11, v11;
	[tilespmem:v15+s16+$0x0] =	vst.idx.add.s32.msk $0xffff, v14;
	v11 =	vadd.f32 $1.000000000e+00, v3;
	v14 =	vadd.f32 $1.000000000e+00, v12  }
0x66: {  	v24 =	vadd.f32 $8.388608000e+06, v4;
	v3 =	vadd.s32 v8, v2;
	v8 =	vadd.f32 $1.000000000e+00, v13  }
0x67: {  	s24 =	simm.s32 $0x80C0;
	v18 =	vadd.f32 $1.677721600e+07, v6;
	v20 =	vadd.f32 $8.388608000e+06, v9;
	v15 =	vpop (erf);
	(erf) = vrcp.f32 v11  }
0x68: {  	v22 =	vld [tilespmem:s24+$0x30];
	v13 =	vadd.f32 $8.388608000e+06, v5;
	v11 =	vadd.f32 $1.000000000e+00, v15;
	(erf) = vrcp.f32 v8;
	v16 =	vpop (erf)  }
0x69: {  	v21 =	vld [tilespmem:s24+$0xFFFFFFD0];
	v5 =	vadd.f32 $1.677721600e+07, v5;
	v17 =	vadd.f32 $1.000000000e+00, v16;
	(erf) = vrcp.f32 v14;
	v14 =	vpop (erf)  }
0x6a: {  	v19 =	vld [tilespmem:s24+$0xFFFFFFE0];
	v12 =	vadd.f32 $8.388608000e+06, v7;
	(erf) = vrcp.f32 v11;
	v25 =	vadd.f32 $1.000000000e+00, v14  }
0x6b: {  	v15 =	vadd.f32 $8.388608000e+06, v23;
	v8 =	vld [tilespmem:s24+$0xFFFFFFC0];
	v16 =	vadd.f32 $8.388608000e+06, v10;
	(erf) = vrcp.f32 v17  }
0x6c: {  	v11 =	vld [tilespmem:s24+$0x0];
	v14 =	vadd.f32 $1.677721600e+07, v4;
	v6 =	vpop (erf);
	v4 =	vadd.f32 $1.677721600e+07, v7;
	(erf) = vrcp.f32 v25  }
0x6d: {  	s26 =	simm.s32 $0x140;
	s25 =	simm.s32 $0x8;
	v17 =	vld [tilespmem:s24+$0xFFFFFFF0];
	v7 =	vadd.s32 v24, v2;
	v22 =	vsub.f32 v6, v22;
	v6 =	vadd.f32 $1.677721600e+07, v23  }
.LBB2_5:
0x6e: {  	v23 =	vld [tilespmem:s26+$0x30];
	s25 =	sadd.s32 $0x8, s25;
	v13 =	vadd.s32 v13, v2;
	v10 =	vadd.f32 $1.677721600e+07, v10;
	v9 =	vadd.f32 $1.677721600e+07, v9  }
0x6f: {  	v12 =	vadd.s32 v12, v2;
	v15 =	vadd.s32 v15, v2;
	v24 =	vld [tilespmem:s26+$0xFFFFFFD0];
	p0 =	slt.u32 s25, $0x3F8;
	v22 =	vmul.f32 $1.596000000e+01, v22;
	v25 =	vpop (erf)  }
0x70: {  	v16 =	vadd.s32 v16, v2;
	v20 =	vadd.s32 v20, v2;
	v26 =	vld [tilespmem:s26+$0xFFFFFFE0];
	v21 =	vsub.f32 v25, v21;
	v25 =	vpop (erf)  }
0x71: {  	v18 =	vadd.s32 $0xB4880000, v18;
	v27 =	vld [tilespmem:s26+$0xFFFFFFF0];
	v19 =	vsub.f32 v25, v19;
	v22 =	vmul.f32 v22, v22;
	v25 =	vpop (erf)  }
0x72: {  	v14 =	vadd.s32 $0xB4880000, v14;
	v28 =	vld [tilespmem:s26+$0x0];
	v21 =	vmul.f32 $1.596000000e+01, v21;
	v17 =	vsub.f32 v25, v17;
	v25 =	vpop (erf)  }
0x73: {  	v29 =	vld [tilespmem:s26+$0x10];
	v23 =	vsub.f32 $0.0e+00, v23;
	v19 =	vmul.f32 $1.596000000e+01, v19;
	v30 =	vadd.f32 $8.388608000e+06, v22;
	v31 =	vpop (erf)  }
0x74: {  	v24 =	vsub.f32 $0.0e+00, v24;
	v32 =	vld [tilespmem:s26+$0x20];
	v8 =	vsub.f32 v31, v8;
	v17 =	vmul.f32 $1.596000000e+01, v17;
	v31 =	vpop (erf)  }
0x75: {  	v33 =	vld [tilespmem:s26+$0xFFFFFFC0];
	v26 =	vsub.f32 $0.0e+00, v26;
	v23 =	vmul.f32 $1.442695020e+00, v23;
	v30 =	vadd.s32 v30, v2;
	v34 =	vpop (erf)  }
0x76: {  	v11 =	vsub.f32 v25, v11;
	v24 =	vmul.f32 $1.442695020e+00, v24;
	v27 =	vsub.f32 $0.0e+00, v27;
	v25 =	vld [tilespmem:s24+$0x10]  }
0x77: {  	v22 =	vadd.f32 $1.677721600e+07, v22;
	v28 =	vsub.f32 $0.0e+00, v28;
	(erf) = vpow2.f32 v23;
	v23 =	vld [tilespmem:s24+$0x20]  }
0x78: {  	v26 =	vmul.f32 $1.442695020e+00, v26;
	v27 =	vmul.f32 $1.442695020e+00, v27;
	v29 =	vsub.f32 $0.0e+00, v29;
	[tilespmem:v3+s16+$0x0] =	vst.idx.add.s32.msk $0xffff, v18  }
0x79: {  	v22 =	vadd.s32 $0xB4880000, v22;
	v3 =	vmul.f32 $1.442695020e+00, v28;
	v18 =	vsub.f32 $0.0e+00, v32;
	[tilespmem:v7+s16+$0x0] =	vst.idx.add.s32.msk $0xffff, v14  }
0x7a: {  	v7 =	vsub.f32 $0.0e+00, v33;
	v14 =	vmul.f32 $1.442695020e+00, v29;
	(erf) = vpow2.f32 v24;
	[tilespmem:v30+s16+$0x0] =	vst.idx.add.s32.msk $0xffff, v22  }
0x7b: {  	v18 =	vmul.f32 $1.442695020e+00, v18;
	(erf) = vpow2.f32 v26;
	v22 =	vsub.f32 v31, v25  }
0x7c: {  	v7 =	vmul.f32 $1.442695020e+00, v7;
	(erf) = vpow2.f32 v27;
	v23 =	vsub.f32 v34, v23  }
0x7d: {  	v5 =	vadd.s32 $0xB4880000, v5;
	(erf) = vpow2.f32 v3;
	v3 =	vmul.f32 $1.596000000e+01, v8  }
0x7e: {  	v4 =	vadd.s32 $0xB4880000, v4;
	(erf) = vpow2.f32 v7;
	v7 =	vmul.f32 $1.596000000e+01, v11;
	[tilespmem:v13+s16+$0x0] =	vst.idx.add.s32.msk $0xffff, v5  }
0x7f: {  	v5 =	vmul.f32 $1.596000000e+01, v22;
	(erf) = vpow2.f32 v14;
	[tilespmem:v12+s16+$0x0] =	vst.idx.add.s32.msk $0xffff, v4;
	v4 =	vadd.s32 $0xB4880000, v6  }
0x80: {  	v8 =	vmul.f32 $1.596000000e+01, v23;
	(erf) = vpow2.f32 v18;
	v6 =	vpop (erf);
	[tilespmem:v15+s16+$0x0] =	vst.idx.add.s32.msk $0xffff, v4;
	v4 =	vadd.s32 $0xB4880000, v10  }
0x81: {  	v11 =	vmul.f32 v3, v3;
	v14 =	vmul.f32 v21, v21;
	v6 =	vadd.f32 $1.000000000e+00, v6;
	[tilespmem:v16+s16+$0x0] =	vst.idx.add.s32.msk $0xffff, v4  }
0x82: {  	v22 =	vmul.f32 v17, v17;
	v10 =	vadd.s32 $0xB4880000, v9;
	v4 =	vmul.f32 v19, v19  }
0x83: {  	v23 =	vmul.f32 v7, v7;
	v9 =	vpop (erf);
	(erf) = vrcp.f32 v6;
	v6 =	vadd.f32 $8.388608000e+06, v11;
	[tilespmem:v20+s16+$0x0] =	vst.idx.add.s32.msk $0xffff, v10  }
0x84: {  	v10 =	vmul.f32 v5, v5;
	v12 =	vadd.f32 $1.000000000e+00, v9;
	v3 =	vpop (erf);
	v9 =	vmul.f32 v8, v8  }
0x85: {  	v5 =	vadd.f32 $1.000000000e+00, v3;
	v8 =	vpop (erf);
	v3 =	vadd.s32 v6, v2;
	v6 =	vadd.f32 $8.388608000e+06, v14  }
0x86: {  	v13 =	vadd.f32 $8.388608000e+06, v4;
	v8 =	vadd.f32 $1.000000000e+00, v8;
	(erf) = vrcp.f32 v12;
	v7 =	vpop (erf)  }
0x87: {  	s24 =	sadd.s32 $0x80, s24;
	v12 =	vadd.f32 $8.388608000e+06, v22;
	v18 =	vadd.f32 $1.000000000e+00, v7;
	v15 =	vpop (erf);
	(erf) = vrcp.f32 v5  }
0x88: {  	v5 =	vadd.f32 $1.000000000e+00, v15;
	v24 =	vld [tilespmem:s24+$0x30];
	(erf) = vrcp.f32 v8;
	v16 =	vpop (erf);
	v15 =	vadd.f32 $8.388608000e+06, v23  }
.Ltmp1:
0x89: {  	v8 =	vld [tilespmem:s24+$0xFFFFFFC0];
	v17 =	vadd.f32 $1.000000000e+00, v16;
	(erf) = vrcp.f32 v18;
	v7 =	vpop (erf);
	v16 =	vadd.f32 $8.388608000e+06, v10;
	(pc) =	sbr.rel @p0 .LBB2_5-.Ltmp1, $4  }
0x8a: {  	v20 =	vadd.f32 $8.388608000e+06, v9;
	v21 =	vld [tilespmem:s24+$0xFFFFFFD0];
	v25 =	vadd.f32 $1.000000000e+00, v7;
	(erf) = vrcp.f32 v5  }
0x8b: {  	v14 =	vadd.f32 $1.677721600e+07, v14;
	v18 =	vadd.f32 $1.677721600e+07, v11;
	v19 =	vld [tilespmem:s24+$0xFFFFFFE0];
	(erf) = vrcp.f32 v17  }
0x8c: {  	v5 =	vadd.f32 $1.677721600e+07, v4;
	v4 =	vadd.f32 $1.677721600e+07, v22;
	v17 =	vld [tilespmem:s24+$0xFFFFFFF0];
	(erf) = vrcp.f32 v25;
	v7 =	vpop (erf)  }
0x8d: {  	s26 =	sadd.s32 $0x80, s26;
	v11 =	vld [tilespmem:s24+$0x0];
	v22 =	vsub.f32 v7, v24;
	v7 =	vadd.s32 v6, v2;
	v6 =	vadd.f32 $1.677721600e+07, v23  }
0x8e: {  	v13 =	vadd.s32 v13, v2;
	v10 =	vadd.f32 $1.677721600e+07, v10;
	v9 =	vadd.f32 $1.677721600e+07, v9  }
0x8f: {  	v12 =	vadd.s32 v12, v2;
	v15 =	vadd.s32 v15, v2;
	v16 =	vadd.s32 v16, v2  }
0x90: {  	v20 =	vadd.s32 v20, v2;
	v18 =	vadd.s32 $0xB4880000, v18;
	v22 =	vmul.f32 $1.596000000e+01, v22;
	v23 =	vpop (erf)  }
0x91: {  	v14 =	vadd.s32 $0xB4880000, v14;
	v5 =	vadd.s32 $0xB4880000, v5;
	v21 =	vsub.f32 v23, v21;
	v23 =	vpop (erf)  }
0x92: {  	v24 =	vld [tilespmem:s24+$0x10];
	v4 =	vadd.s32 $0xB4880000, v4;
	v22 =	vmul.f32 v22, v22;
	v19 =	vsub.f32 v23, v19;
	v23 =	vpop (erf)  }
0x93: {  	v6 =	vadd.s32 $0xB4880000, v6;
	[tilespmem:v3+s16+$0x0] =	vst.idx.add.s32.msk $0xffff, v18;
	v3 =	vadd.s32 $0xB4880000, v10;
	v17 =	vsub.f32 v23, v17;
	v23 =	vpop (erf)  }
0x94: {  	v25 =	vld [tilespmem:s24+$0x20];
	v9 =	vadd.s32 $0xB4880000, v9;
	v21 =	vmul.f32 $1.596000000e+01, v21;
	v26 =	vadd.f32 $8.388608000e+06, v22;
	v27 =	vpop (erf)  }
0x95: {  	v19 =	vmul.f32 $1.596000000e+01, v19;
	v22 =	vadd.f32 $1.677721600e+07, v22;
	v8 =	vsub.f32 v27, v8  }
0x96: {  	v11 =	vsub.f32 v23, v11;
	v17 =	vmul.f32 $1.596000000e+01, v17;
	v10 =	vmul.f32 v21, v21  }
0x97: {  	v27 =	vpop (erf);
	v26 =	vadd.s32 v26, v2;
	v22 =	vadd.s32 $0xB4880000, v22;
	v8 =	vmul.f32 $1.596000000e+01, v8  }
0x98: {  	[tilespmem:v7+s16+$0x0] =	vst.idx.add.s32.msk $0xffff, v14;
	v23 =	vpop (erf);
	v24 =	vsub.f32 v27, v24;
	v11 =	vmul.f32 $1.596000000e+01, v11;
	v18 =	vmul.f32 v19, v19  }
0x99: {  	v23 =	vsub.f32 v23, v25;
	v7 =	vmul.f32 v17, v17;
	v8 =	vmul.f32 v8, v8  }
0x9a: {  	v19 =	vadd.f32 $8.388608000e+06, v10;
	v10 =	vadd.f32 $1.677721600e+07, v10;
	v24 =	vmul.f32 $1.596000000e+01, v24  }
0x9b: {  	[tilespmem:v13+s16+$0x0] =	vst.idx.add.s32.msk $0xffff, v5;
	v11 =	vmul.f32 v11, v11;
	v23 =	vmul.f32 $1.596000000e+01, v23;
	v14 =	vadd.f32 $8.388608000e+06, v8  }
0x9c: {  	[tilespmem:v12+s16+$0x0] =	vst.idx.add.s32.msk $0xffff, v4;
	v4 =	vadd.f32 $8.388608000e+06, v7;
	v19 =	vadd.s32 v19, v2;
	v7 =	vadd.f32 $1.677721600e+07, v7  }
0x9d: {  	[tilespmem:v15+s16+$0x0] =	vst.idx.add.s32.msk $0xffff, v6;
	v17 =	vmul.f32 v24, v24;
	v13 =	vadd.s32 v14, v2;
	v14 =	vadd.f32 $8.388608000e+06, v18  }
0x9e: {  	[tilespmem:v16+s16+$0x0] =	vst.idx.add.s32.msk $0xffff, v3;
	v12 =	vadd.f32 $8.388608000e+06, v11;
	v5 =	vmul.f32 v23, v23;
	v4 =	vadd.s32 v4, v2  }
0x9f: {  	[tilespmem:v20+s16+$0x0] =	vst.idx.add.s32.msk $0xffff, v9;
	v8 =	vadd.f32 $1.677721600e+07, v8;
	v6 =	vadd.f32 $8.388608000e+06, v17;
	v14 =	vadd.s32 v14, v2  }
0xa0: {  	s24 =	sshll.u32 s23, $0x1;
	p0 =	seq.s32 s23, $0xB;
	v10 =	vadd.s32 $0xB4880000, v10;
	[tilespmem:v26+s16+$0x0] =	vst.idx.add.s32.msk $0xffff, v22;
	v12 =	vadd.s32 v12, v2;
	v3 =	vadd.f32 $8.388608000e+06, v5  }
0xa1: {  	s25 =	sadd.s32 @!p0 $0x2, s24;
	v9 =	vadd.f32 $1.677721600e+07, v18;
	v8 =	vadd.s32 $0xB4880000, v8;
	v6 =	vadd.s32 v6, v2;
	[tilespmem:v19+s16+$0x0] =	vst.idx.add.s32.msk $0xffff, v10  }
0xa2: {  	s26 =	sshll.u32 @!p0 s25, $0xE;
	s25 =	sshll.u32 @!p0 s25, $0x13;
	v7 =	vadd.s32 $0xB4880000, v7;
	v3 =	vadd.s32 v3, v2;
	[tilespmem:v13+s16+$0x0] =	vst.idx.add.s32.msk $0xffff, v8;
	v8 =	vadd.f32 $1.677721600e+07, v11  }
0xa3: {  	s26 =	sand.u32 @!p0 $0x8000, s26;
	s25 =	sand.u32 @!p0 $0x1E00000, s25;
	v9 =	vadd.s32 $0xB4880000, v9;
	v10 =	vadd.f32 $1.677721600e+07, v17;
	[tilespmem:v4+s16+$0x0] =	vst.idx.add.s32.msk $0xffff, v7  }
0xa4: {  	s25 =	sor.u32 @!p0 s25, s26;
	v5 =	vadd.f32 $1.677721600e+07, v5;
	[tilespmem:v14+s16+$0x0] =	vst.idx.add.s32.msk $0xffff, v9;
	v4 =	vadd.s32 $0xB4880000, v8  }
0xa5: {  	s25 =	sor.u32 @!p0 s5, s25;
	[tilespmem:v12+s16+$0x0] =	vst.idx.add.s32.msk $0xffff, v4;
	v4 =	vadd.s32 $0xB4880000, v10  }
0xa6: {  	s25 =	sshrl.u32 @!p0 s25, $0x3;
	[tilespmem:v6+s16+$0x0] =	vst.idx.add.s32.msk $0xffff, v4;
	v4 =	vadd.s32 $0xB4880000, v5  }
0xa7: {  	s28 =	simm.s32 @!p0 $0x0;
	s26 =	sadd.s32 @!p0 s1, s25;
	[tilespmem:v3+s16+$0x0] =	vst.idx.add.s32.msk $0xffff, v4  }
0xa8: {  	[tilespmem:s28], [sflag:$0x1] =	stream.linear.gather @!p0 [hbm4b:s26+s28], $0x4000, $0x38;
	[tilespmem:$0x16C80] =	vst v63  }
0xa9: {  	s25 =	sadd.s32 @!p0 s2, s25;
	s26 =	simm.s32 @!p0 $0x8000  }
0xaa: {  	[tilespmem:s26], [sflag:$0x1] =	stream.linear.gather @!p0 [hbm4b:s25+s28], $0x4000, $0x38;
	[tilespmem:$0x16C80] =	vst v63  }
0xab: {  	_ =	swait.ge [sflag:s17], $0x4000  }
0xac: {  	[sflag:s17] =	ssyncset.done $0x0  }
0xad: {  	[sflag:s17] =	ssyncadd.s32 $0xFFFFC000  }
0xae: {  	_ =	swait.ge [sflag:s17], $0x4000  }
0xaf: {  	[sflag:s17] =	ssyncset.done $0x0  }
0xb0: {  	s30 =	simm.s32 $0x0;
	[sflag:s17] =	ssyncadd.s32 $0xFFFFC000  }
0xb1: {  	v3 =	vld [tilespmem:s30+$0x4070];
	_ =	sdelay $0x1  }
0xb2: {  	v4 =	vld [tilespmem:s30+$0x4000]  }
0xb3: {  	v5 =	vld [tilespmem:s30+$0x4010];
	_ =	sdelay $0x1  }
0xb4: {  	v6 =	vld [tilespmem:s30+$0x4020];
	v3 =	vsub.f32 $0.0e+00, v3  }
0xb5: {  	v7 =	vld [tilespmem:s30+$0x4030]  }
0xb6: {  	v8 =	vld [tilespmem:s30+$0x4040];
	v4 =	vsub.f32 $0.0e+00, v4;
	v3 =	vmul.f32 $1.442695020e+00, v3  }
0xb7: {  	v5 =	vsub.f32 $0.0e+00, v5  }
0xb8: {  	v9 =	vld [tilespmem:s30+$0x4060];
	v4 =	vmul.f32 $1.442695020e+00, v4;
	(erf) = vpow2.f32 v3  }
0xb9: {  	v5 =	vmul.f32 $1.442695020e+00, v5;
	v3 =	vld [tilespmem:s30+$0x4050]  }
0xba: {  	v6 =	vsub.f32 $0.0e+00, v6;
	(erf) = vpow2.f32 v4  }
0xbb: {  	v4 =	vsub.f32 $0.0e+00, v7;
	(erf) = vpow2.f32 v5;
	v5 =	vsub.f32 $0.0e+00, v8  }
0xbc: {  	v6 =	vmul.f32 $1.442695020e+00, v6  }
0xbd: {  	v4 =	vmul.f32 $1.442695020e+00, v4;
	v5 =	vmul.f32 $1.442695020e+00, v5  }
0xbe: {  	(erf) = vpow2.f32 v6;
	v6 =	vsub.f32 $0.0e+00, v9;
	v3 =	vsub.f32 $0.0e+00, v3  }
0xbf: {  	(erf) = vpow2.f32 v4  }
0xc0: {  	v4 =	vmul.f32 $1.442695020e+00, v6;
	v3 =	vmul.f32 $1.442695020e+00, v3  }
0xc1: {  	(erf) = vpow2.f32 v5;
	v5 =	vpop (erf)  }
0xc2: {  	(erf) = vpow2.f32 v3;
	v3 =	vadd.f32 $1.000000000e+00, v5  }
0xc3: {  	(erf) = vpow2.f32 v4  }
0xc4: {  	v4 =	vpop (erf);
	(erf) = vrcp.f32 v3  }
0xc5: {  	v3 =	vadd.f32 $1.000000000e+00, v4  }
0xc6: {  	v4 =	vpop (erf)  }
0xc7: {  	s31 =	simm.s32 $0x80;
	v4 =	vadd.f32 $1.000000000e+00, v4;
	v5 =	vpop (erf)  }
0xc8: {  	v12 =	vld [tilespmem:s31+$0x4070];
	v5 =	vadd.f32 $1.000000000e+00, v5;
	(erf) = vrcp.f32 v3  }
0xc9: {  	(erf) = vrcp.f32 v4;
	v4 =	vld [tilespmem:s30+$0xC070];
	v3 =	vpop (erf)  }
0xca: {  	v13 =	vld [tilespmem:s31+$0x4020];
	(erf) = vrcp.f32 v5;
	v6 =	vpop (erf)  }
0xcb: {  	v14 =	vld [tilespmem:s31+$0x4040];
	v8 =	vpop (erf)  }
0xcc: {  	v7 =	vld [tilespmem:s30+$0xC010];
	v10 =	vpop (erf)  }
0xcd: {  	v5 =	vld [tilespmem:s30+$0xC000];
	v6 =	vadd.f32 $1.000000000e+00, v6;
	v11 =	vpop (erf)  }
0xce: {  	v3 =	vadd.f32 $1.000000000e+00, v3;
	v4 =	vsub.f32 v11, v4;
	v11 =	vld [tilespmem:s31+$0x4000]  }
0xcf: {  	v9 =	vld [tilespmem:s30+$0xC020]  }
0xd0: {  	v15 =	vld [tilespmem:s31+$0x4060];
	v12 =	vsub.f32 $0.0e+00, v12;
	v13 =	vsub.f32 $0.0e+00, v13;
	(erf) = vrcp.f32 v3  }
0xd1: {  	v14 =	vsub.f32 $0.0e+00, v14;
	v8 =	vadd.f32 $1.000000000e+00, v8;
	v3 =	vld [tilespmem:s31+$0x4010];
	(erf) = vrcp.f32 v6;
	v6 =	vpop (erf)  }
0xd2: {  	v12 =	vmul.f32 $1.442695020e+00, v12;
	v10 =	vadd.f32 $1.000000000e+00, v10;
	v5 =	vsub.f32 v6, v5;
	v6 =	vpop (erf)  }
0xd3: {  	(erf) = vrcp.f32 v8;
	v8 =	vld [tilespmem:s31+$0x4030];
	v6 =	vsub.f32 v6, v7;
	v7 =	vpop (erf);
	v11 =	vsub.f32 $0.0e+00, v11  }
0xd4: {  	v13 =	vmul.f32 $1.442695020e+00, v13;
	v14 =	vmul.f32 $1.442695020e+00, v14;
	v7 =	vsub.f32 v7, v9;
	v9 =	vld [tilespmem:s31+$0x4050]  }
0xd5: {  	v15 =	vsub.f32 $0.0e+00, v15;
	(erf) = vrcp.f32 v10;
	v11 =	vmul.f32 $1.442695020e+00, v11  }
0xd6: {  	v4 =	vmul.f32 $1.596000000e+01, v4;
	v3 =	vsub.f32 $0.0e+00, v3;
	(erf) = vpow2.f32 v12  }
0xd7: {  	v15 =	vmul.f32 $1.442695020e+00, v15;
	(erf) = vpow2.f32 v11  }
0xd8: {  	v16 =	vld [tilespmem:s30+$0xC030];
	v4 =	vmul.f32 v4, v4;
	v3 =	vmul.f32 $1.442695020e+00, v3;
	v8 =	vsub.f32 $0.0e+00, v8  }
0xd9: {  	v17 =	vld [tilespmem:s30+$0xC040];
	v5 =	vmul.f32 $1.596000000e+01, v5;
	v6 =	vmul.f32 $1.596000000e+01, v6;
	v9 =	vsub.f32 $0.0e+00, v9  }
0xda: {  	v8 =	vmul.f32 $1.442695020e+00, v8;
	(erf) = vpow2.f32 v3  }
0xdb: {  	v12 =	vld [tilespmem:s30+$0xC050];
	v19 =	vpop (erf);
	v9 =	vmul.f32 $1.442695020e+00, v9;
	(erf) = vpow2.f32 v13  }
0xdc: {  	v18 =	vld [tilespmem:s30+$0xC060];
	v10 =	vadd.f32 $8.388608000e+06, v4;
	v4 =	vadd.f32 $1.677721600e+07, v4;
	v11 =	vpop (erf);
	(erf) = vpow2.f32 v8  }
0xdd: {  	v7 =	vmul.f32 $1.596000000e+01, v7;
	v22 =	vmul.f32 v5, v5;
	v3 =	vpop (erf)  }
0xde: {  	v16 =	vsub.f32 v19, v16;
	v11 =	vsub.f32 v11, v17;
	v13 =	vpop (erf);
	(erf) = vpow2.f32 v14  }
0xdf: {  	v19 =	vadd.s32 v10, v2;
	v5 =	vadd.s32 $0xB4880000, v4;
	(erf) = vpow2.f32 v9;
	v9 =	vpop (erf)  }
0xe0: {  	v26 =	vmul.f32 v7, v7;
	v3 =	vsub.f32 v3, v12;
	v11 =	vmul.f32 $1.596000000e+01, v11;
	v4 =	vpop (erf)  }
0xe1: {  	v12 =	vsub.f32 v13, v18;
	(erf) = vpow2.f32 v15;
	v7 =	vadd.f32 $1.000000000e+00, v4  }
0xe2: {  	v24 =	vmul.f32 v6, v6;
	v3 =	vmul.f32 $1.596000000e+01, v3;
	v9 =	vadd.f32 $1.000000000e+00, v9  }
0xe3: {  	v12 =	vmul.f32 $1.596000000e+01, v12;
	v13 =	vmul.f32 v11, v11;
	v4 =	vpop (erf)  }
0xe4: {  	v15 =	vmul.f32 v3, v3;
	(erf) = vrcp.f32 v9;
	v3 =	vadd.f32 $1.000000000e+00, v4;
	v11 =	vpop (erf)  }
0xe5: {  	v6 =	vadd.f32 $8.388608000e+06, v22;
	v10 =	vld [tilespmem:s31+$0xC000];
	v8 =	vmul.f32 $1.596000000e+01, v16;
	(erf) = vrcp.f32 v7;
	v7 =	vpop (erf)  }
0xe6: {  	v16 =	vadd.f32 $8.388608000e+06, v24;
	[tilespmem:v19+s16+$0x0] =	vst.idx.add.s32.msk $0xffff, v5;
	v14 =	vmul.f32 v12, v12;
	v12 =	vadd.f32 $1.000000000e+00, v7  }
0xe7: {  	v19 =	vadd.f32 $1.677721600e+07, v24;
	v24 =	vld [tilespmem:s31+$0xC070];
	v27 =	vmul.f32 v8, v8;
	v11 =	vadd.f32 $1.000000000e+00, v11  }
0xe8: {  	v22 =	vadd.f32 $1.677721600e+07, v22;
	v8 =	vld [tilespmem:s31+$0xC010];
	v18 =	vadd.f32 $8.388608000e+06, v26;
	(erf) = vrcp.f32 v3;
	v3 =	vpop (erf)  }
0xe9: {  	v17 =	vadd.f32 $8.388608000e+06, v27;
	v9 =	vld [tilespmem:s31+$0xC020];
	(erf) = vrcp.f32 v11;
	v5 =	vadd.f32 $1.000000000e+00, v3;
	v3 =	vpop (erf)  }
0xea: {  	v4 =	vadd.s32 v6, v2;
	v6 =	vld [tilespmem:s31+$0xC030];
	v11 =	vadd.f32 $1.000000000e+00, v3;
	(erf) = vrcp.f32 v12;
	v12 =	vpop (erf)  }
0xeb: {  	v20 =	vadd.f32 $8.388608000e+06, v13;
	v7 =	vld [tilespmem:s31+$0xC040];
	(erf) = vrcp.f32 v5;
	v12 =	vadd.f32 $1.000000000e+00, v12  }
0xec: {  	v21 =	vadd.f32 $8.388608000e+06, v15;
	v23 =	vadd.f32 $8.388608000e+06, v14;
	v3 =	vld [tilespmem:s31+$0xC050];
	(erf) = vrcp.f32 v11  }
0xed: {  	s25 =	simm.s32 $0x8;
	s26 =	simm.s32 $0x400;
	v5 =	vld [tilespmem:s31+$0xC060];
	v11 =	vadd.f32 $1.677721600e+07, v27;
	v25 =	vpop (erf);
	(erf) = vrcp.f32 v12;
	v12 =	vadd.f32 $1.677721600e+07, v26  }
.LBB2_7:
0xee: {  	s28 =	sshra.s32 s26, $0x2;
	s25 =	sadd.s32 $0x8, s25;
	v24 =	vsub.f32 v25, v24;
	v16 =	vadd.s32 v16, v2;
	v13 =	vadd.f32 $1.677721600e+07, v13  }
0xef: {  	v18 =	vadd.s32 v18, v2;
	v15 =	vadd.f32 $1.677721600e+07, v15;
	v14 =	vadd.f32 $1.677721600e+07, v14;
	v25 =	vld [tilespmem:s28+$0x4070];
	p1 =	slt.u32 s25, $0x3F8  }
0xf0: {  	v17 =	vadd.s32 v17, v2;
	v20 =	vadd.s32 v20, v2;
	v26 =	vld [tilespmem:s28+$0x4000];
	v24 =	vmul.f32 $1.596000000e+01, v24;
	v27 =	vpop (erf)  }
0xf1: {  	v21 =	vadd.s32 v21, v2;
	v23 =	vadd.s32 v23, v2;
	v28 =	vld [tilespmem:s28+$0x4010];
	v32 =	vsub.f32 v27, v10;
	v27 =	vpop (erf)  }
0xf2: {  	v22 =	vadd.s32 $0xB4880000, v22;
	v29 =	vld [tilespmem:s28+$0x4020];
	v8 =	vsub.f32 v27, v8;
	v24 =	vmul.f32 v24, v24;
	v27 =	vpop (erf)  }
0xf3: {  	v19 =	vadd.s32 $0xB4880000, v19;
	v30 =	vld [tilespmem:s28+$0x4030];
	v31 =	vmul.f32 $1.596000000e+01, v32;
	v9 =	vsub.f32 v27, v9;
	v10 =	vpop (erf)  }
0xf4: {  	v27 =	vld [tilespmem:s28+$0x4040];
	v25 =	vsub.f32 $0.0e+00, v25;
	v32 =	vmul.f32 $1.596000000e+01, v8;
	v8 =	vadd.f32 $8.388608000e+06, v24;
	v33 =	vpop (erf)  }
0xf5: {  	v36 =	vsub.f32 v10, v6;
	v26 =	vsub.f32 $0.0e+00, v26;
	v34 =	vld [tilespmem:s28+$0x4050];
	v35 =	vmul.f32 $1.596000000e+01, v9;
	v37 =	vpop (erf)  }
0xf6: {  	v6 =	vsub.f32 $0.0e+00, v28;
	v28 =	vld [tilespmem:s28+$0x4060];
	v9 =	vmul.f32 $1.442695020e+00, v25;
	v25 =	vadd.s32 v8, v2;
	v38 =	vpop (erf)  }
0xf7: {  	v33 =	vsub.f32 v33, v7;
	v10 =	vld [tilespmem:s28+$0xC000];
	v26 =	vmul.f32 $1.442695020e+00, v26;
	v29 =	vsub.f32 $0.0e+00, v29  }
0xf8: {  	v24 =	vadd.f32 $1.677721600e+07, v24;
	v8 =	vld [tilespmem:s28+$0xC010];
	v7 =	vsub.f32 $0.0e+00, v30;
	(erf) = vpow2.f32 v9  }
0xf9: {  	v30 =	vmul.f32 $1.442695020e+00, v6;
	v9 =	vld [tilespmem:s28+$0xC020];
	v29 =	vmul.f32 $1.442695020e+00, v29;
	v27 =	vsub.f32 $0.0e+00, v27  }
0xfa: {  	v6 =	vld [tilespmem:s28+$0xC030];
	v39 =	vmul.f32 $1.442695020e+00, v7;
	v34 =	vsub.f32 $0.0e+00, v34;
	v7 =	vadd.s32 $0xB4880000, v24  }
0xfb: {  	v24 =	vmul.f32 $1.442695020e+00, v27;
	v27 =	vsub.f32 $0.0e+00, v28;
	(erf) = vpow2.f32 v26;
	[tilespmem:v25+s16+$0x0] =	vst.idx.add.s32.msk $0xffff, v7  }
0xfc: {  	v26 =	vsub.f32 v37, v3;
	v7 =	vld [tilespmem:s28+$0xC040];
	v25 =	vmul.f32 $1.442695020e+00, v34;
	(erf) = vpow2.f32 v30  }
0xfd: {  	v28 =	vsub.f32 v38, v5;
	v3 =	vld [tilespmem:s28+$0xC050];
	v27 =	vmul.f32 $1.442695020e+00, v27;
	(erf) = vpow2.f32 v29  }
0xfe: {  	v12 =	vadd.s32 $0xB4880000, v12;
	v29 =	vmul.f32 $1.596000000e+01, v36;
	v5 =	vld [tilespmem:s28+$0xC060];
	(erf) = vpow2.f32 v39  }
0xff: {  	(erf) = vpow2.f32 v24;
	v24 =	vmul.f32 $1.596000000e+01, v33;
	[tilespmem:v4+s16+$0x0] =	vst.idx.add.s32.msk $0xffff, v22;
	v4 =	vadd.s32 $0xB4880000, v11  }
0x100: {  	v13 =	vadd.s32 $0xB4880000, v13;
	v11 =	vmul.f32 $1.596000000e+01, v26;
	(erf) = vpow2.f32 v25;
	[tilespmem:v16+s16+$0x0] =	vst.idx.add.s32.msk $0xffff, v19  }
0x101: {  	v19 =	vmul.f32 $1.596000000e+01, v28;
	(erf) = vpow2.f32 v27;
	v16 =	vpop (erf);
	[tilespmem:v18+s16+$0x0] =	vst.idx.add.s32.msk $0xffff, v12;
	v12 =	vadd.s32 $0xB4880000, v15  }
0x102: {  	v22 =	vmul.f32 v31, v31;
	v25 =	vmul.f32 v32, v32;
	v15 =	vadd.f32 $1.000000000e+00, v16;
	[tilespmem:v17+s16+$0x0] =	vst.idx.add.s32.msk $0xffff, v4  }
0x103: {  	v26 =	vmul.f32 v35, v35;
	v27 =	vmul.f32 v29, v29;
	v4 =	vadd.s32 $0xB4880000, v14;
	[tilespmem:v20+s16+$0x0] =	vst.idx.add.s32.msk $0xffff, v13  }
0x104: {  	v16 =	vadd.f32 $8.388608000e+06, v22;
	v13 =	vmul.f32 v24, v24;
	v14 =	vpop (erf);
	(erf) = vrcp.f32 v15;
	[tilespmem:v21+s16+$0x0] =	vst.idx.add.s32.msk $0xffff, v12  }
0x105: {  	v15 =	vmul.f32 v11, v11;
	v18 =	vadd.f32 $1.000000000e+00, v14;
	v17 =	vpop (erf);
	v14 =	vmul.f32 v19, v19;
	[tilespmem:v23+s16+$0x0] =	vst.idx.add.s32.msk $0xffff, v4  }
0x106: {  	v4 =	vadd.s32 v16, v2;
	v16 =	vadd.f32 $8.388608000e+06, v25;
	v20 =	vadd.f32 $1.000000000e+00, v17;
	v17 =	vpop (erf)  }
0x107: {  	v21 =	vadd.f32 $1.000000000e+00, v17;
	(erf) = vrcp.f32 v18;
	v12 =	vpop (erf);
	v18 =	vadd.f32 $8.388608000e+06, v26  }
0x108: {  	v17 =	vadd.f32 $8.388608000e+06, v27;
	v23 =	vadd.f32 $1.000000000e+00, v12;
	(erf) = vrcp.f32 v20;
	v11 =	vpop (erf)  }
.Ltmp2:
0x109: {  	v20 =	vadd.f32 $8.388608000e+06, v13;
	v11 =	vadd.f32 $1.000000000e+00, v11;
	v24 =	vld [tilespmem:s28+$0xC070];
	(erf) = vrcp.f32 v21;
	v19 =	vpop (erf);
	(pc) =	sbr.rel @p1 .LBB2_7-.Ltmp2, $4  }
0x10a: {  	v21 =	vadd.f32 $8.388608000e+06, v15;
	v19 =	vadd.f32 $1.000000000e+00, v19;
	(erf) = vrcp.f32 v23;
	v12 =	vpop (erf)  }
0x10b: {  	v23 =	vadd.f32 $8.388608000e+06, v14;
	v12 =	vadd.f32 $1.000000000e+00, v12;
	(erf) = vrcp.f32 v11  }
0x10c: {  	v22 =	vadd.f32 $1.677721600e+07, v22;
	(erf) = vrcp.f32 v19;
	v19 =	vadd.f32 $1.677721600e+07, v25  }
0x10d: {  	s26 =	sadd.s32 $0x200, s26;
	v11 =	vadd.f32 $1.677721600e+07, v27;
	(erf) = vrcp.f32 v12;
	v25 =	vpop (erf);
	v12 =	vadd.f32 $1.677721600e+07, v26  }
0x10e: {  	v24 =	vsub.f32 v25, v24;
	v16 =	vadd.s32 v16, v2;
	v13 =	vadd.f32 $1.677721600e+07, v13  }
0x10f: {  	v18 =	vadd.s32 v18, v2;
	v15 =	vadd.f32 $1.677721600e+07, v15;
	v14 =	vadd.f32 $1.677721600e+07, v14  }
0x110: {  	v17 =	vadd.s32 v17, v2;
	v20 =	vadd.s32 v20, v2;
	v21 =	vadd.s32 v21, v2  }
0x111: {  	v23 =	vadd.s32 v23, v2;
	v22 =	vadd.s32 $0xB4880000, v22;
	v24 =	vmul.f32 $1.596000000e+01, v24  }
0x112: {  	v19 =	vadd.s32 $0xB4880000, v19;
	v12 =	vadd.s32 $0xB4880000, v12;
	v11 =	vadd.s32 $0xB4880000, v11;
	v45 =	vpop (erf)  }
0x113: {  	v13 =	vadd.s32 $0xB4880000, v13;
	v10 =	vsub.f32 v45, v10;
	v46 =	vpop (erf);
	v24 =	vmul.f32 v24, v24  }
0x114: {  	v15 =	vadd.s32 $0xB4880000, v15;
	v51 =	vadd.s32 $0xB4880000, v14;
	v8 =	vsub.f32 v46, v8;
	v47 =	vpop (erf)  }
0x115: {  	v10 =	vmul.f32 $1.596000000e+01, v10;
	v9 =	vsub.f32 v47, v9;
	v48 =	vpop (erf);
	v26 =	vadd.f32 $8.388608000e+06, v24  }
0x116: {  	v8 =	vmul.f32 $1.596000000e+01, v8;
	v27 =	vpop (erf);
	v24 =	vadd.f32 $1.677721600e+07, v24;
	v6 =	vsub.f32 v48, v6  }
0x117: {  	v9 =	vmul.f32 $1.596000000e+01, v9;
	v49 =	vpop (erf);
	v7 =	vsub.f32 v27, v7;
	v10 =	vmul.f32 v10, v10  }
0x118: {  	v26 =	vadd.s32 v26, v2;
	v28 =	vpop (erf);
	v24 =	vadd.s32 $0xB4880000, v24;
	v3 =	vsub.f32 v49, v3  }
0x119: {  	v6 =	vmul.f32 $1.596000000e+01, v6;
	v8 =	vmul.f32 v8, v8;
	v5 =	vsub.f32 v28, v5  }
0x11a: {  	[tilespmem:v4+s16+$0x0] =	vst.idx.add.s32.msk $0xffff, v22;
	v7 =	vmul.f32 $1.596000000e+01, v7;
	v9 =	vmul.f32 v9, v9;
	v52 =	vadd.f32 $8.388608000e+06, v10  }
0x11b: {  	[tilespmem:v16+s16+$0x0] =	vst.idx.add.s32.msk $0xffff, v19;
	v10 =	vadd.f32 $1.677721600e+07, v10;
	v3 =	vmul.f32 $1.596000000e+01, v3;
	v50 =	vmul.f32 v6, v6  }
0x11c: {  	[tilespmem:v18+s16+$0x0] =	vst.idx.add.s32.msk $0xffff, v12;
	v53 =	vadd.f32 $8.388608000e+06, v8;
	v8 =	vadd.f32 $1.677721600e+07, v8;
	v5 =	vmul.f32 $1.596000000e+01, v5  }
0x11d: {  	[tilespmem:v17+s16+$0x0] =	vst.idx.add.s32.msk $0xffff, v11;
	v7 =	vmul.f32 v7, v7;
	v54 =	vadd.s32 v52, v2;
	v55 =	vadd.f32 $8.388608000e+06, v9  }
0x11e: {  	[tilespmem:v20+s16+$0x0] =	vst.idx.add.s32.msk $0xffff, v13;
	v3 =	vmul.f32 v3, v3;
	v56 =	vadd.f32 $8.388608000e+06, v50;
	v16 =	vadd.s32 v53, v2  }
0x11f: {  	[tilespmem:v21+s16+$0x0] =	vst.idx.add.s32.msk $0xffff, v15;
	v5 =	vmul.f32 v5, v5;
	v57 =	vadd.f32 $8.388608000e+06, v7;
	v14 =	vadd.s32 v55, v2  }
0x120: {  	[tilespmem:v23+s16+$0x0] =	vst.idx.add.s32.msk $0xffff, v51;
	v60 =	vadd.f32 $1.677721600e+07, v9;
	v58 =	vadd.f32 $8.388608000e+06, v3;
	v11 =	vadd.s32 v56, v2  }
0x121: {  	v10 =	vadd.s32 $0xB4880000, v10;
	[tilespmem:v26+s16+$0x0] =	vst.idx.add.s32.msk $0xffff, v24;
	v59 =	vadd.f32 $8.388608000e+06, v5;
	v61 =	vadd.s32 v57, v2  }
0x122: {  	v4 =	vadd.f32 $1.677721600e+07, v50;
	v8 =	vadd.s32 $0xB4880000, v8;
	v13 =	vadd.s32 v58, v2;
	[tilespmem:v54+s16+$0x0] =	vst.idx.add.s32.msk $0xffff, v10  }
0x123: {  	v7 =	vadd.f32 $1.677721600e+07, v7;
	v6 =	vadd.s32 $0xB4880000, v60;
	v2 =	vadd.s32 v59, v2;
	[tilespmem:v16+s16+$0x0] =	vst.idx.add.s32.msk $0xffff, v8  }
.Ltmp3:
0x124: {  	v3 =	vadd.f32 $1.677721600e+07, v3;
	v4 =	vadd.s32 $0xB4880000, v4;
	[tilespmem:v14+s16+$0x0] =	vst.idx.add.s32.msk $0xffff, v6;
	(pc) =	sbr.rel @p0 .LBB2_9-.Ltmp3, $4  }
0x125: {  	v5 =	vadd.f32 $1.677721600e+07, v5;
	v62 =	vadd.s32 $0xB4880000, v7;
	[tilespmem:v11+s16+$0x0] =	vst.idx.add.s32.msk $0xffff, v4  }
0x126: {  	v3 =	vadd.s32 $0xB4880000, v3;
	[tilespmem:v61+s16+$0x0] =	vst.idx.add.s32.msk $0xffff, v62  }
0x127: {  	v63 =	vadd.s32 $0xB4880000, v5;
	[tilespmem:v13+s16+$0x0] =	vst.idx.add.s32.msk $0xffff, v3  }
0x128: {  	[tilespmem:v2+s16+$0x0] =	vst.idx.add.s32.msk $0xffff, v63  }
0x129: {  	s24 =	sadd.s32 $0x3, s24  }
0x12a: {  	s25 =	sshll.u32 s24, $0xE;
	s24 =	sshll.u32 s24, $0x13  }
0x12b: {  	s25 =	sand.u32 $0xC000, s25;
	s24 =	sand.u32 $0x1E00000, s24  }
0x12c: {  	s24 =	sor.u32 s24, s25  }
0x12d: {  	s24 =	sor.u32 s5, s24  }
.Ltmp4:
0x12e: {  	s24 =	sshrl.u32 s24, $0x3;
	(pc) =	sbr.rel .LBB2_4-.Ltmp4, $4  }
0x12f: {  	s31 =	sadd.s32 s1, s24  }
0x130: {  	[tilespmem:s13], [sflag:$0x2] =	stream.linear.gather [hbm4b:s31+s4], $0x4000, $0x38;
	[tilespmem:$0x16C80] =	vst v63  }
0x131: {  	s23 =	sadd.s32 $0x1, s23;
	s24 =	sadd.s32 s2, s24  }
0x132: {  	[tilespmem:s14], [sflag:$0x2] =	stream.linear.gather [hbm4b:s24+s4], $0x4000, $0x38;
	[tilespmem:$0x16C80] =	vst v63  }
.LBB2_9:
0x133: {  	s26 =	simm.s32 $0x0;
	s23 =	simm.s32 $0x0  }
0x134: {  	s23 =	sand.u32 $0xFFFFFF00, s23;
	s24 =	sand.u32 $0xF0, s26  }
0x135: {  	s23 =	sor.u32 s24, s23  }
0x136: {  	s25 =	sand.u32 $0x70, s26;
	s24 =	sand.u32 $0x780, s23  }
0x137: {  	v2 =	vld [tilespmem:s23+$0x10601];
	s24 =	sor.u32 s25, s24  }
0x138: {  	v3 =	vld [tilespmem:s24+$0x10000]  }
0x139: {  	v4 =	vld [tilespmem:s23+$0x10C02]  }
0x13a: {  	v5 =	vld [tilespmem:s23+$0x11203]  }
0x13b: {  	v6 =	vld [tilespmem:s23+$0x11804]  }
0x13c: {  	v7 =	vld [tilespmem:s23+$0x11E05]  }
0x13d: {  	v8 =	vshrl.u32 v2, $0x13;
	v2 =	vand.u32 $0x7FFFF, v2;
	v9 =	vand.u32 $0x7FFFF, v3  }
0x13e: {  	v10 =	vld [tilespmem:s23+$0x12406];
	v3 =	vshrl.u32 v3, $0x13;
	v2 =	vadd.s32 v9, v2;
	v9 =	vand.u32 $0x7FFFF, v4  }
0x13f: {  	v11 =	vld [tilespmem:s23+$0x12A07];
	v3 =	vadd.s32 v3, v8;
	v8 =	vand.u32 $0x7FFFF, v5;
	v4 =	vshrl.u32 v4, $0x13  }
0x140: {  	v5 =	vshrl.u32 v5, $0x13;
	v2 =	vadd.s32 v9, v2;
	v9 =	vld [tilespmem:s23+$0x13008];
	v3 =	vadd.s32 v4, v3  }
0x141: {  	v12 =	vld [tilespmem:s23+$0x13609];
	v4 =	vand.u32 $0x7FFFF, v7;
	v2 =	vadd.s32 v8, v2;
	v8 =	vand.u32 $0x7FFFF, v6  }
0x142: {  	v7 =	vshrl.u32 v7, $0x13;
	v3 =	vadd.s32 v5, v3;
	v2 =	vadd.s32 v8, v2;
	v8 =	vld [tilespmem:s23+$0x13C0A]  }
0x143: {  	v13 =	vld [tilespmem:s23+$0x1420B];
	v6 =	vshrl.u32 v6, $0x13;
	v2 =	vadd.s32 v4, v2;
	v4 =	vand.u32 $0x7FFFF, v10  }
0x144: {  	v5 =	vld [tilespmem:s23+$0x1480C];
	v3 =	vadd.s32 v6, v3;
	v2 =	vadd.s32 v4, v2;
	v4 =	vand.u32 $0x7FFFF, v11  }
0x145: {  	v6 =	vld [tilespmem:s23+$0x14E0D];
	v3 =	vadd.s32 v7, v3;
	v2 =	vadd.s32 v4, v2;
	v4 =	vand.u32 $0x7FFFF, v9  }
0x146: {  	v7 =	vshrl.u32 v10, $0x13;
	v2 =	vadd.s32 v4, v2;
	v4 =	vand.u32 $0x7FFFF, v12  }
0x147: {  	v14 =	vld [tilespmem:s23+$0x1540E];
	v3 =	vadd.s32 v7, v3;
	v2 =	vadd.s32 v4, v2;
	v4 =	vand.u32 $0x7FFFF, v8  }
0x148: {  	s28 =	simm.s32 $0x10;
	s24 =	simm.s32 $0x10;
	v10 =	vld [tilespmem:s23+$0x15A0F];
	v7 =	vshrl.u32 v11, $0x13;
	v2 =	vadd.s32 v4, v2;
	v4 =	vand.u32 $0x7FFFF, v13  }
0x149: {  	s3 =	sand.u32 $0xFFFFFF00, s28;
	s28 =	sand.u32 $0xF0, s24;
	v3 =	vadd.s32 v7, v3;
	v2 =	vadd.s32 v4, v2;
	v4 =	vand.u32 $0x7FFFF, v5  }
0x14a: {  	s29 =	sor.u32 s28, s3;
	v7 =	vshrl.u32 v9, $0x13;
	v2 =	vadd.s32 v4, v2;
	v4 =	vand.u32 $0x7FFFF, v6  }
0x14b: {  	s28 =	sand.u32 $0x780, s29;
	s23 =	sand.u32 $0x70, s24;
	v3 =	vadd.s32 v7, v3;
	v2 =	vadd.s32 v4, v2;
	v4 =	vshrl.u32 v12, $0x13  }
0x14c: {  	s28 =	sor.u32 s23, s28;
	v9 =	vld [tilespmem:s29+$0x10601];
	v7 =	vand.u32 $0x7FFFF, v14;
	v5 =	vshrl.u32 v5, $0x13;
	v3 =	vadd.s32 v4, v3  }
0x14d: {  	v4 =	vshrl.u32 v8, $0x13;
	v2 =	vadd.s32 v7, v2;
	v7 =	vld [tilespmem:s28+$0x10000];
	v8 =	vand.u32 $0x7FFFF, v10  }
0x14e: {  	v11 =	vld [tilespmem:s29+$0x10C02];
	v3 =	vadd.s32 v4, v3;
	v4 =	vshrl.u32 v13, $0x13;
	v2 =	vadd.s32 v8, v2  }
0x14f: {  	v3 =	vadd.s32 v4, v3;
	v4 =	vshrl.u32 v6, $0x13;
	v6 =	vld [tilespmem:s29+$0x11203];
	v13 =	vcvt.s32.f32 v2  }
0x150: {  	v8 =	vld [tilespmem:s29+$0x11804];
	v2 =	vshrl.u32 v10, $0x13;
	v3 =	vadd.s32 v5, v3;
	v5 =	vshrl.u32 v14, $0x13  }
0x151: {  	v12 =	vld [tilespmem:s29+$0x11E05];
	v3 =	vadd.s32 v4, v3;
	v4 =	vshrl.u32 v9, $0x13;
	v9 =	vand.u32 $0x7FFFF, v9  }
0x152: {  	v14 =	vld [tilespmem:s29+$0x12406];
	v3 =	vadd.s32 v5, v3;
	v5 =	vshrl.u32 v7, $0x13;
	v7 =	vand.u32 $0x7FFFF, v7  }
0x153: {  	v15 =	vld [tilespmem:s29+$0x12A07];
	v4 =	vadd.s32 v5, v4;
	v5 =	vadd.s32 v7, v9;
	v7 =	vand.u32 $0x7FFFF, v11  }
0x154: {  	v10 =	vld [tilespmem:s29+$0x13008];
	v9 =	vshrl.u32 v11, $0x13;
	v5 =	vadd.s32 v7, v5;
	v7 =	vand.u32 $0x7FFFF, v6  }
0x155: {  	v4 =	vadd.s32 v9, v4;
	v9 =	vand.u32 $0x7FFFF, v8;
	v5 =	vadd.s32 v7, v5;
	v7 =	vld [tilespmem:s29+$0x13609]  }
0x156: {  	v11 =	vshrl.u32 v6, $0x13;
	v6 =	vld [tilespmem:s29+$0x13C0A];
	v5 =	vadd.s32 v9, v5;
	v9 =	vand.u32 $0x7FFFF, v12  }
0x157: {  	v4 =	vadd.s32 v11, v4;
	v11 =	vand.u32 $0x7FFFF, v14;
	v9 =	vadd.s32 v9, v5  }
0x158: {  	v16 =	vand.u32 $0x7FFFF, v15;
	v8 =	vshrl.u32 v8, $0x13;
	v11 =	vadd.s32 v11, v9  }
0x159: {  	v4 =	vadd.s32 v8, v4;
	v5 =	vld [tilespmem:s29+$0x1420B];
	v11 =	vadd.s32 v16, v11;
	v16 =	vand.u32 $0x7FFFF, v10  }
0x15a: {  	v12 =	vshrl.u32 v12, $0x13;
	v9 =	vld [tilespmem:s29+$0x1480C];
	v11 =	vadd.s32 v16, v11;
	v16 =	vand.u32 $0x7FFFF, v7  }
0x15b: {  	s28 =	simm.s32 $0x0;
	v8 =	vld [tilespmem:s29+$0x14E0D];
	v4 =	vadd.s32 v12, v4;
	v12 =	vand.u32 $0x7FFFF, v6;
	v11 =	vadd.s32 v16, v11  }
0x15c: {  	s26 =	sand.u32 $0x80, s26;
	s28 =	sand.u32 $0x3FFFFE00, s28;
	v14 =	vshrl.u32 v14, $0x13;
	v16 =	vadd.s32 v12, v11;
	v11 =	vld [tilespmem:s29+$0x1540E]  }
0x15d: {  	s26 =	sor.u32 s26, s28;
	v12 =	vadd.s32 v14, v4;
	v4 =	vld [tilespmem:s29+$0x15A0F]  }
0x15e: {  	s25 =	sor.u32 s25, s26;
	v17 =	vand.u32 $0x7FFFF, v5  }
0x15f: {  	s31 =	simm.s32 $0x20;
	s28 =	simm.s32 $0x2;
	s30 =	sadd.s32 $0x16080, s25;
	v14 =	vadd.s32 v17, v16;
	v16 =	vand.u32 $0x7FFFF, v9  }
0x160: {  	s26 =	simm.s32 $0x20;
	[tilespmem:s30+$0x100] =	vst v13;
	v13 =	vshrl.u32 v15, $0x13;
	s30 =	simm.s32 $0x20;
	v15 =	vand.u32 $0x7FFFF, v8;
	s29 =	simm.s32 $0x3;
	v14 =	vadd.s32 v16, v14  }
.LBB2_10:
0x161: {  	p0 =	sne.s32 s29, $0x5F;
	s31 =	sand.u32 $0xFFFFFF00, s31;
	s0 =	sand.u32 $0xF0, s26;
	v12 =	vadd.s32 v13, v12;
	v13 =	vadd.s32 v15, v14;
	v14 =	vand.u32 $0x7FFFF, v11  }
0x162: {  	v10 =	vshrl.u32 v10, $0x13;
	s31 =	sor.u32 s0, s31;
	v13 =	vadd.s32 v14, v13;
	v14 =	vand.u32 $0x7FFFF, v4;
	s0 =	sand.u32 $0x80, s24;
	s24 =	sand.u32 $0x3FFFFE00, s30  }
0x163: {  	s3 =	sand.u32 $0x70, s26;
	v7 =	vshrl.u32 v7, $0x13;
	v10 =	vadd.s32 v10, v12;
	s30 =	sand.u32 $0x780, s31;
	v12 =	vadd.s32 v14, v13;
	s0 =	sor.u32 s0, s24  }
0x164: {  	v6 =	vshrl.u32 v6, $0x13;
	v7 =	vadd.s32 v7, v10;
	s24 =	sor.u32 s3, s30;
	v13 =	vld [tilespmem:s31+$0x10601];
	s0 =	sor.u32 s23, s0;
	v10 =	vcvt.s32.f32 v12;
	s23 =	smov.u32 s3  }
0x165: {  	v5 =	vshrl.u32 v5, $0x13;
	v6 =	vadd.s32 v6, v7;
	v7 =	vshrl.u32 v9, $0x13;
	s30 =	smov.u32 s28;
	v12 =	vld [tilespmem:s24+$0x10000];
	s3 =	sadd.s32 $0x16080, s0;
	s24 =	smov.u32 s26  }
0x166: {  	s28 =	smov.u32 s29;
	v5 =	vadd.s32 v5, v6;
	v6 =	vshrl.u32 v8, $0x13;
	v8 =	vshrl.u32 v11, $0x13;
	v9 =	vld [tilespmem:s31+$0x10C02];
	[tilespmem:s3+$0x100] =	vst v10  }
0x167: {  	v3 =	vadd.s32 v2, v3;
	v2 =	vshrl.u32 v4, $0x13;
	v5 =	vadd.s32 v7, v5;
	v11 =	vld [tilespmem:s31+$0x11203]  }
0x168: {  	v5 =	vadd.s32 v6, v5;
	v6 =	vcvt.s32.f32 v3;
	v4 =	vld [tilespmem:s31+$0x11804]  }
0x169: {  	v3 =	vadd.s32 v8, v5;
	v7 =	vshrl.u32 v13, $0x13;
	v14 =	vld [tilespmem:s31+$0x11E05]  }
0x16a: {  	v10 =	vand.u32 $0x7FFFF, v13;
	v5 =	vshrl.u32 v12, $0x13;
	v8 =	vand.u32 $0x7FFFF, v12;
	v12 =	vld [tilespmem:s31+$0x12406];
	[tilespmem:s25+$0x16080] =	vst v6;
	s25 =	smov.u32 s0  }
0x16b: {  	v5 =	vadd.s32 v5, v7;
	v6 =	vadd.s32 v8, v10;
	v7 =	vand.u32 $0x7FFFF, v9;
	v13 =	vld [tilespmem:s31+$0x12A07]  }
0x16c: {  	v8 =	vshrl.u32 v9, $0x13;
	v6 =	vadd.s32 v7, v6;
	v7 =	vand.u32 $0x7FFFF, v11;
	v10 =	vld [tilespmem:s31+$0x13008]  }
0x16d: {  	v5 =	vadd.s32 v8, v5;
	v6 =	vadd.s32 v7, v6;
	v8 =	vand.u32 $0x7FFFF, v4;
	v7 =	vld [tilespmem:s31+$0x13609]  }
0x16e: {  	v9 =	vshrl.u32 v11, $0x13;
	v8 =	vadd.s32 v8, v6;
	v11 =	vand.u32 $0x7FFFF, v14;
	v6 =	vld [tilespmem:s31+$0x13C0A]  }
0x16f: {  	v15 =	vadd.s32 v9, v5;
	v8 =	vadd.s32 v11, v8;
	v9 =	vand.u32 $0x7FFFF, v12;
	v5 =	vld [tilespmem:s31+$0x1420B]  }
0x170: {  	v4 =	vshrl.u32 v4, $0x13;
	v8 =	vadd.s32 v9, v8;
	v11 =	vand.u32 $0x7FFFF, v13;
	v9 =	vld [tilespmem:s31+$0x1480C]  }
0x171: {  	v4 =	vadd.s32 v4, v15;
	v11 =	vadd.s32 v11, v8;
	v15 =	vand.u32 $0x7FFFF, v10;
	v8 =	vld [tilespmem:s31+$0x14E0D]  }
.Ltmp5:
0x172: {  	v14 =	vshrl.u32 v14, $0x13;
	v15 =	vadd.s32 v15, v11;
	v16 =	vand.u32 $0x7FFFF, v7;
	v11 =	vld [tilespmem:s31+$0x1540E];
	(pc) =	sbr.rel @p0 .LBB2_10-.Ltmp5, $4  }
0x173: {  	v14 =	vadd.s32 v14, v4;
	v15 =	vadd.s32 v16, v15;
	v16 =	vand.u32 $0x7FFFF, v6;
	v4 =	vld [tilespmem:s31+$0x15A0F]  }
0x174: {  	v12 =	vshrl.u32 v12, $0x13;
	v15 =	vadd.s32 v16, v15;
	v16 =	vand.u32 $0x7FFFF, v5  }
0x175: {  	s26 =	sadd.s32 $0x10, s26;
	v12 =	vadd.s32 v12, v14;
	v14 =	vadd.s32 v16, v15;
	v15 =	vand.u32 $0x7FFFF, v9  }
0x176: {  	s29 =	sadd.s32 $0x1, s29;
	s30 =	sshll.u32 s30, $0x5;
	v13 =	vshrl.u32 v13, $0x13;
	s31 =	sshll.u32 s28, $0x4;
	v14 =	vadd.s32 v15, v14;
	v15 =	vand.u32 $0x7FFFF, v8  }
0x177: {  	s0 =	sand.u32 $0xFFFFFF00, s31;
	s3 =	sand.u32 $0xF0, s26  }
0x178: {  	s31 =	sor.u32 s3, s0  }
0x179: {  	v21 =	vld [tilespmem:s31+$0x10601]  }
0x17a: {  	v25 =	vld [tilespmem:s31+$0x10C02]  }
0x17b: {  	v28 =	vld [tilespmem:s31+$0x11203]  }
0x17c: {  	v12 =	vadd.s32 v13, v12;
	v19 =	vadd.s32 v15, v14;
	v2 =	vadd.s32 v2, v3;
	v3 =	vld [tilespmem:s31+$0x11804]  }
0x17d: {  	v10 =	vshrl.u32 v10, $0x13;
	v20 =	vand.u32 $0x7FFFF, v11;
	v7 =	vshrl.u32 v7, $0x13;
	v31 =	vld [tilespmem:s31+$0x11E05]  }
0x17e: {  	v6 =	vshrl.u32 v6, $0x13;
	v5 =	vshrl.u32 v5, $0x13;
	v10 =	vadd.s32 v10, v12;
	v33 =	vld [tilespmem:s31+$0x12406]  }
0x17f: {  	v9 =	vshrl.u32 v9, $0x13;
	v27 =	vshrl.u32 v8, $0x13;
	v7 =	vadd.s32 v7, v10;
	v36 =	vld [tilespmem:s31+$0x12A07]  }
0x180: {  	v29 =	vshrl.u32 v11, $0x13;
	v13 =	vadd.s32 v20, v19;
	v38 =	vld [tilespmem:s31+$0x13008];
	v6 =	vadd.s32 v6, v7  }
0x181: {  	v23 =	vand.u32 $0x7FFFF, v4;
	v53 =	vshrl.u32 v4, $0x13;
	v40 =	vld [tilespmem:s31+$0x13609];
	v5 =	vadd.s32 v5, v6  }
0x182: {  	s29 =	sand.u32 $0x70, s26;
	v2 =	vcvt.s32.f32 v2;
	s0 =	sand.u32 $0x780, s31;
	v24 =	vadd.s32 v23, v13;
	v16 =	vld [tilespmem:s31+$0x13C0A];
	v5 =	vadd.s32 v9, v5  }
0x183: {  	v44 =	vld [tilespmem:s31+$0x1420B];
	s0 =	sor.u32 s29, s0;
	v26 =	vcvt.s32.f32 v24;
	v5 =	vadd.s32 v27, v5;
	v30 =	vshrl.u32 v21, $0x13  }
0x184: {  	v22 =	vld [tilespmem:s0+$0x10000];
	v5 =	vadd.s32 v29, v5;
	v12 =	vand.u32 $0x7FFFF, v21;
	v35 =	vand.u32 $0x7FFFF, v25  }
0x185: {  	v46 =	vld [tilespmem:s31+$0x1480C];
	v13 =	vshrl.u32 v25, $0x13;
	v37 =	vand.u32 $0x7FFFF, v28;
	v39 =	vand.u32 $0x7FFFF, v3  }
0x186: {  	v48 =	vld [tilespmem:s31+$0x14E0D];
	v8 =	vshrl.u32 v28, $0x13;
	v41 =	vand.u32 $0x7FFFF, v31;
	v43 =	vand.u32 $0x7FFFF, v33  }
0x187: {  	v3 =	vshrl.u32 v3, $0x13;
	v45 =	vand.u32 $0x7FFFF, v36;
	v47 =	vand.u32 $0x7FFFF, v38  }
0x188: {  	v11 =	vshrl.u32 v31, $0x13;
	v49 =	vand.u32 $0x7FFFF, v40;
	v50 =	vand.u32 $0x7FFFF, v16  }
0x189: {  	v51 =	vld [tilespmem:s31+$0x1540E];
	v14 =	vshrl.u32 v33, $0x13;
	v52 =	vand.u32 $0x7FFFF, v44;
	v10 =	vand.u32 $0x7FFFF, v22  }
0x18a: {  	v54 =	vand.u32 $0x7FFFF, v46;
	v32 =	vshrl.u32 v22, $0x13;
	v34 =	vadd.s32 v10, v12  }
0x18b: {  	v56 =	vand.u32 $0x7FFFF, v48;
	v7 =	vadd.s32 v32, v30;
	v9 =	vadd.s32 v35, v34  }
0x18c: {  	v55 =	vld [tilespmem:s31+$0x15A0F];
	v15 =	vshrl.u32 v38, $0x13;
	v7 =	vadd.s32 v13, v7;
	v9 =	vadd.s32 v37, v9  }
0x18d: {  	v57 =	vshrl.u32 v40, $0x13;
	v7 =	vadd.s32 v8, v7;
	v9 =	vadd.s32 v39, v9  }
0x18e: {  	v58 =	vand.u32 $0x7FFFF, v51;
	v3 =	vadd.s32 v3, v7;
	v42 =	vadd.s32 v41, v9  }
0x18f: {  	v59 =	vshrl.u32 v16, $0x13;
	v3 =	vadd.s32 v11, v3;
	v8 =	vadd.s32 v43, v42  }
0x190: {  	v12 =	vshrl.u32 v36, $0x13;
	v3 =	vadd.s32 v14, v3;
	v8 =	vadd.s32 v45, v8  }
0x191: {  	v60 =	vand.u32 $0x7FFFF, v55;
	v3 =	vadd.s32 v12, v3;
	v8 =	vadd.s32 v47, v8  }
0x192: {  	v62 =	vshrl.u32 v51, $0x13;
	v3 =	vadd.s32 v15, v3;
	v8 =	vadd.s32 v49, v8  }
0x193: {  	v63 =	vshrl.u32 v55, $0x13;
	v3 =	vadd.s32 v57, v3;
	v8 =	vadd.s32 v50, v8  }
0x194: {  	v10 =	vshrl.u32 v44, $0x13;
	v3 =	vadd.s32 v59, v3;
	v8 =	vadd.s32 v52, v8  }
0x195: {  	s24 =	sand.u32 $0x80, s24;
	s31 =	sand.u32 $0x3FFFFE00, s30;
	v7 =	vshrl.u32 v46, $0x13;
	v3 =	vadd.s32 v10, v3;
	v8 =	vadd.s32 v54, v8  }
0x196: {  	s0 =	sor.u32 s24, s31;
	s24 =	sshll.u32 s28, $0x5;
	v9 =	vshrl.u32 v48, $0x13;
	v3 =	vadd.s32 v7, v3;
	v8 =	vadd.s32 v56, v8  }
0x197: {  	s28 =	sand.u32 $0x80, s26;
	s0 =	sor.u32 s23, s0;
	s3 =	sand.u32 $0x3FFFFE00, s24;
	v4 =	vadd.s32 v53, v5;
	v3 =	vadd.s32 v9, v3;
	v8 =	vadd.s32 v58, v8  }
0x198: {  	[tilespmem:s25+$0x16080] =	vst v2;
	s30 =	sadd.s32 $0x16080, s0;
	s3 =	sor.u32 s28, s3;
	v2 =	vcvt.s32.f32 v4;
	v3 =	vadd.s32 v62, v3;
	v8 =	vadd.s32 v60, v8  }
0x199: {  	[tilespmem:s30+$0x100] =	vst v26;
	s3 =	sor.u32 s29, s3;
	v3 =	vadd.s32 v63, v3;
	v61 =	vcvt.s32.f32 v8  }
0x19a: {  	s22 =	sadd.s32 $0x1, s22;
	s31 =	sadd.s32 $0x16080, s3;
	[tilespmem:s0+$0x16080] =	vst v2;
	v3 =	vcvt.s32.f32 v3  }
0x19b: {  	p0 =	sne.s32 s22, s11;
	[tilespmem:s31+$0x100] =	vst v61  }
.Ltmp6:
0x19c: {  	[tilespmem:s3+$0x16080] =	vst v3;
	(pc) =	sbr.rel @p0 .LBB2_1-.Ltmp6, $4  }
0x19d: {  	[hbm4b:s10+s18] =	stream.strided.scatter [tilespmem:s20], [sflag:$0x3], $0xC00, s19, s18, $0x38;
	[tilespmem:$0x16C80] =	vst v63  }
0x19e: {  	_ =	swait.ge [sflag:s21], $0xC00  }
0x19f: {  	[sflag:s21] =	ssyncset.done $0x0  }
0x1a0: {  	[sflag:s21] =	ssyncadd.s32 $0xFFFFF400  }
0x1a1: {  	_ =	sfence.sel $0x180000  }
0x1a2: {  	[bflag:$0x0] =	sbarrier.arrive $0xFFFF  }
0x1a3: {  	_ =	strace $0x90000047  }
0x1a4: {  	s0 =	stileid.u32;
	[bflag:$0x2] =	sbarrier.arrive $0xFFFF  }
0x1a5: {  	p0 =	sne.s32 s0, $0x0;
	s0 =	rddreg [dreg:$0x3]  }
0x1a6: {  	s0 =	sadd.s32 @!p0 $0x100000, s0  }
0x1a7: {  	[sflag:s0] =	ssyncadd.tile.s32 @!p0 $0x1;
	_ =	shalt  }
.Lfunc_end2:
_tile_overlayer_lowered:
.L_overlay_start_2:
0x1a8: {  	(tag) =	ssettag $0x2  }
0x1a9: {  	s0 =	rddreg [dreg:$0x0];
	s2 =	stileid.u32  }
0x1aa: {  	s1 =	rddreg [dreg:$0x1];
	p0 =	sne.s32 s2, $0x0  }
0x1ab: {  	s3 =	rddreg [dreg:$0x2];
	[bflag:$0x3] =	sbarrier.arrive $0xFFFF;
	s2 =	simm.s32 @!p0 $0x1C03  }
0x1ac: {  	[timem:s3], [sflag:s2] =	dma.local @!p0 [hbm:s0], s1  }
0x1ad: {  	s0 =	simm.s32 @!p0 $0x3  }
0x1ae: {  	_ =	swait.ge @!p0 [sflag:s0], s1  }
0x1af: {  	s1 =	ssub.s32 @!p0 $0x0, s1;
	[sflag:s0] =	ssyncset.done @!p0 $0x0  }
0x1b0: {  	[sflag:s0] =	ssyncadd.s32 @!p0 s1  }
0x1b1: {  	[bflag:$0x3] =	sbarrier.arrive $0xFFFF  }
0x1b2: {  	_ =	shalt  }

</sc_bundles>
